<compile_context>
chip_gen: v7x
topology: tpu7x:2x2x1
jax: 0.10.2.dev20260603
libtpu: 0.0.44.dev20260713+nightly
codegen_flags: <defaults>
</compile_context>

<pallas_src>
import functools

import jax
import jax.numpy as jnp
from jax import lax
from jax.experimental import pallas as pl
from jax.experimental.pallas import tpu as pltpu
from jax.experimental.pallas import tpu_sc as plsc

N = 10000
E = 320000
D = 128
NC, NS = 2, 16
NW = NC * NS
CH = 80


def _make_agg(n_src, dst_sizes):
    per_tile = E // NW
    k = per_tile // CH
    n_dst = len(dst_sizes)

    scratch = (
        [pltpu.VMEM((k, CH), jnp.int32)]
        + [pltpu.VMEM((k, CH), jnp.int32) for _ in dst_sizes]
        + [pltpu.VMEM((CH, D), jnp.float32)]
        + [pltpu.VMEM_SHARED((nd, D), jnp.float32) for nd in dst_sizes]
        + [pltpu.SemaphoreType.DMA]
    )
    out_type = [jax.ShapeDtypeStruct((NC, nd, D), jnp.float32)
                for nd in dst_sizes]
    mesh = plsc.VectorSubcoreMesh(core_axis_name="c", subcore_axis_name="s",
                                  num_cores=NC, num_subcores=NS)

    def body(x_hbm, src_hbm, *rest):
        dst_hbm = rest[:n_dst]
        zeros_hbm = rest[n_dst]
        outs = rest[n_dst + 1:2 * n_dst + 1]
        src_v = rest[2 * n_dst + 1]
        dst_v = rest[2 * n_dst + 2:3 * n_dst + 2]
        rows_v = rest[3 * n_dst + 2]
        accs = rest[3 * n_dst + 3:4 * n_dst + 3]
        sem = rest[4 * n_dst + 3]

        c = lax.axis_index("c")
        s = lax.axis_index("s")
        w = c * NS + s

        def striped(nd, fn):
            q = 8 * (nd // (NS * 8))
            last = nd - (NS - 1) * q

            @pl.when(s < NS - 1)
            def _():
                fn(pl.ds(s * q, q))

            @pl.when(s == NS - 1)
            def _():
                fn(pl.ds((NS - 1) * q, last))

        pltpu.sync_copy(src_hbm.at[w], src_v)
        for dh, dv in zip(dst_hbm, dst_v):
            pltpu.sync_copy(dh.at[w], dv)

        for acc, nd in zip(accs, dst_sizes):
            striped(nd, lambda sl, acc=acc:
                    pltpu.sync_copy(zeros_hbm.at[sl], acc.at[sl]))
        plsc.subcore_barrier()

        def step(j, carry):
            pltpu.async_copy(x_hbm.at[src_v.at[j]], rows_v, sem).wait()
            for acc, dv in zip(accs, dst_v):
                pltpu.sync_copy(rows_v, acc.at[dv.at[j]], add=True)
            return carry
        lax.fori_loop(0, k, step, 0)
        plsc.subcore_barrier()

        for acc, out, nd in zip(accs, outs, dst_sizes):
            striped(nd, lambda sl, acc=acc, out=out:
                    pltpu.sync_copy(acc.at[sl], out.at[c, sl]))

    return pl.kernel(body, out_type=out_type, mesh=mesh,
                     scratch_types=scratch)


def _relu(v):
    return jnp.maximum(v, 0.0)


def _mm(a, b):
    return jnp.dot(a, b, preferred_element_type=jnp.float32)


def _conv_pool_body(x_ref, a0_ref, a1_ref, wr_ref, wn_ref, b_ref, p_ref):
    h = _relu(_mm(x_ref[...], wr_ref[...])
              + _mm(a0_ref[...] + a1_ref[...], wn_ref[...]) + b_ref[...])
    m = p_ref.shape[0]
    p_ref[...] = h.reshape(m, 2, D).sum(axis=1)


def _lift_conv_body(t_ref, a0_ref, a1_ref, wr_ref, wn_ref, b_ref, o_ref):
    m = t_ref.shape[0]
    t = _mm(t_ref[...], wr_ref[...]) * 0.5
    y = jnp.broadcast_to(t[:, None, :], (m, 2, D)).reshape(2 * m, D)
    agg = (a0_ref[...] + a1_ref[...]) * 0.5
    o_ref[...] = _relu(y + _mm(agg, wn_ref[...]) + b_ref[...])


def _mid_body(p0_ref, ay0_ref, ay1_ref, whr_ref, whn_ref, bh_ref,
              wgr_ref, wgn_ref, bg_ref, p1_ref, o1_ref):
    ay = ay0_ref[...] + ay1_ref[...]
    agg1 = ay.reshape(N // 2, 2, D).sum(axis=1)
    p0 = p0_ref[...]
    h1 = _relu(_mm(p0, whr_ref[...]) + _mm(agg1, whn_ref[...]) + bh_ref[...])
    p1_ref[...] = h1.reshape(N // 4, 2, D).sum(axis=1)
    t = _mm(p0, wgr_ref[...]) * 0.5
    y = jnp.broadcast_to(t[:, None, :], (N // 2, 2, D)).reshape(N, D)
    o1_ref[...] = _relu(y + _mm(ay * 0.5, wgn_ref[...]) + bg_ref[...])


def _conv_pool(x, a0, a1, wr, wn, b, n_out):
    return pl.pallas_call(
        _conv_pool_body,
        out_shape=jax.ShapeDtypeStruct((n_out, D), jnp.float32),
    )(x, a0, a1, wr, wn, b.reshape(1, D))


def _lift_conv(t, a0, a1, wr, wn, b):
    return pl.pallas_call(
        _lift_conv_body,
        out_shape=jax.ShapeDtypeStruct((2 * t.shape[0], D), jnp.float32),
    )(t, a0, a1, wr, wn, b.reshape(1, D))


@functools.partial(jax.jit, static_argnames=())
def kernel(x, edge_index, Wh0_r, Wh0_n, bh0, Wg0_r, Wg0_n, bg0,
           Wh1_r, Wh1_n, bh1, Wg1_r, Wg1_n, bg1):
    src = edge_index[0].astype(jnp.int32)
    dst = edge_index[1].astype(jnp.int32)
    src1 = src // 2
    dst1 = dst // 2
    src2 = src // 4
    kshape = (NW, E // (NW * CH), CH)
    src_r = src.reshape(kshape)
    dst_r = dst.reshape(kshape)
    src1_r = src1.reshape(kshape)
    dst1_r = dst1.reshape(kshape)
    src2_r = src2.reshape(kshape)
    zeros = jnp.zeros((N, D), jnp.float32)

    (a0,) = _make_agg(N, (N,))(x, src_r, dst_r, zeros)
    p0 = _conv_pool(x, a0[0], a0[1], Wh0_r, Wh0_n, bh0, N // 2)

    (ay,) = _make_agg(N // 2, (N,))(p0, src1_r, dst_r, zeros)
    p1, out1 = pl.pallas_call(
        _mid_body,
        out_shape=(jax.ShapeDtypeStruct((N // 4, D), jnp.float32),
                   jax.ShapeDtypeStruct((N, D), jnp.float32)),
    )(p0, ay[0], ay[1], Wh1_r, Wh1_n, bh1.reshape(1, D),
      Wg0_r, Wg0_n, bg0.reshape(1, D))

    (az,) = _make_agg(N // 4, (N // 2,))(p1, src2_r, dst1_r, zeros)
    z2 = _lift_conv(p1, az[0], az[1], Wg1_r, Wg1_n, bg1)
    (aw,) = _make_agg(N // 2, (N,))(z2, src1_r, dst_r, zeros)
    out2 = _lift_conv(z2, aw[0], aw[1], Wg0_r, Wg0_n, bg0)

    return (jnp.stack([x, out1, out2], axis=1), x, p0, p1)

# --- scband reference (transcript-rebuilt; emitter-appended) ---
"""Pipeline reference for scband-hierarchical-pooling-12266426598062 (READ-ONLY COPY).

The authoritative reference and input builder live on the scoring server;
editing this copy changes nothing except your own understanding.
"""

import jax, jax.numpy as jnp
import numpy as np
jax.config.update("jax_enable_x64", True)

N = 10000
E = 320000
D = 128
N_LAYERS = 2


def _graph_conv(x, src, dst, n, Wr, Wn, b):
    # GraphConv: root transform + scatter-add aggregation of neighbor features
    agg = jnp.zeros((n, x.shape[1]), x.dtype).at[dst].add(x[src])
    return jax.nn.relu(x @ Wr + agg @ Wn + b)


def _coarsen(edge_index, n):
    # compute_coarsened_graphs: decimation pooling select (cluster = node_id // 2),
    # connect (coarsened edge list), pinv-based s_inv sizes for lifting.
    graphs = []
    src, dst = edge_index[0], edge_index[1]
    for _ in range(N_LAYERS):
        cluster = jnp.arange(n) // 2
        n_pool = (n + 1) // 2
        sizes = jnp.bincount(cluster, length=n_pool)
        graphs.append((src, dst, n, cluster, sizes, n_pool))
        src, dst = cluster[src], cluster[dst]
        n = n_pool
    return graphs


def setup_inputs(seed: int = 0):
    key = jax.random.key(seed)
    ks = jax.random.split(key, 14)
    inp = {}
    inp["x"] = jax.random.normal(ks[0], (N, D), dtype=jnp.float32)
    inp["edge_index"] = jax.random.randint(ks[1], (2, E), 0, N, dtype=jnp.int64)
    i = 2
    for l in range(N_LAYERS):
        for tag in ("h", "g"):
            inp["W%s%d_r" % (tag, l)] = (jax.random.normal(ks[i], (D, D), dtype=jnp.float32) / np.sqrt(D)).astype(jnp.float32); i += 1
            inp["W%s%d_n" % (tag, l)] = (jax.random.normal(ks[i], (D, D), dtype=jnp.float32) / np.sqrt(D)).astype(jnp.float32); i += 1
            inp["b%s%d" % (tag, l)] = jnp.zeros((D,), dtype=jnp.float32); i += 1
    return inp


def reference(x, edge_index, Wh0_r, Wh0_n, bh0, Wg0_r, Wg0_n, bg0, Wh1_r, Wh1_n, bh1, Wg1_r, Wg1_n, bg1):
    Wh = [(Wh0_r, Wh0_n, bh0), (Wh1_r, Wh1_n, bh1)]
    Wg = [(Wg0_r, Wg0_n, bg0), (Wg1_r, Wg1_n, bg1)]
    graphs = _coarsen(edge_index, x.shape[0])
    # recursive_lifting_pooling: downward pooling pass (conv_h then reduce)
    pooled = []
    x_cur = x
    for l in range(N_LAYERS):
        src, dst, n, cluster, sizes, n_pool = graphs[l]
        x_cur = _graph_conv(x_cur, src, dst, n, *Wh[l])
        x_cur = jnp.zeros((n_pool, x_cur.shape[1]), x_cur.dtype).at[cluster].add(x_cur)
        pooled.append(x_cur)
    # recursive lifting: lift each pooled level back to the original resolution,
    # applying conv_g on the finer adjacency at every step (HierarchicalPooling.lift)
    out = [x]  # keep_initial_features=True
    for i in range(1, N_LAYERS + 1):
        xl = pooled[i - 1]
        for j in range(i - 1, -1, -1):
            src, dst, n, cluster, sizes, n_pool = graphs[j]
            # lift with s_inv = pinv(S^T): gather then divide by cluster size
            xl = xl[cluster] / sizes[cluster].astype(xl.dtype)[:, None]
            xl = _graph_conv(xl, src, dst, n, *Wg[j])
        out.append(xl)
    # forward returns (stacked multi-scale features, pooled list incl. initial x)
    return (jnp.stack(out, axis=1), x, pooled[0], pooled[1])

if __name__ == "__main__":
    import jax
    _d = setup_inputs()
    print(jax.jit(kernel)(*tuple(_d.values())))

</pallas_src>

<mosaic_0001>
#map = affine_map<(d0, d1) -> (0, 0)>
#map1 = affine_map<(d0, d1) -> (0, 0, 0)>
module attributes {stable_mosaic.version = 14 : i64} {
  func.func @body(%arg0: i32, %arg1: i32, %arg2: memref<10000x128xf32, #tpu.memory_space<hbm>>, %arg3: memref<32x125x80xi32, #tpu.memory_space<hbm>>, %arg4: memref<32x125x80xi32, #tpu.memory_space<hbm>>, %arg5: memref<10000x128xf32, #tpu.memory_space<hbm>>, %arg6: memref<2x10000x128xf32, #tpu.memory_space<hbm>>, %arg7: memref<125x80xi32, #tpu.memory_space<vmem>>, %arg8: memref<125x80xi32, #tpu.memory_space<vmem>>, %arg9: memref<80x128xf32, #tpu.memory_space<vmem>>, %arg10: memref<10000x128xf32, #tpu.memory_space<vmem_shared>>, %arg11: memref<!tpu.dma_semaphore, #tpu.memory_space<semaphore_mem>>) attributes {dimension_semantics = [#tpu.dimension_semantics<core_parallel>, #tpu.dimension_semantics<subcore_parallel>], iteration_bounds = array<i64: 2, 16>, scalar_prefetch = 0 : i64, scratch_operands = 5 : i64, tpu.core_type = #tpu.core_type<sc_vector_subcore>, window_params = [{transform_indices = #map}, {transform_indices = #map1}, {transform_indices = #map1}, {transform_indices = #map}, {transform_indices = #map1}]} {
    %mul3A = arith.constant 16 : i32
    %mul3A_0 = arith.muli %arg0, %mul3A : i32
    %add3A = arith.addi %mul3A_0, %arg1 : i32
    "tpu.region"() ({
      %run_scoped3A = tpu.sem_alloc : memref<!tpu.dma_semaphore, #tpu.memory_space<semaphore_mem>>
      %dma_start3A = arith.constant 0 : i32
      %dma_start3A_23 = arith.constant 0 : i32
      %dma_start3A_24 = tpu.memref_slice %arg3[%add3A, %dma_start3A, %dma_start3A_23] : memref<32x125x80xi32, #tpu.memory_space<hbm>> -> memref<1x125x80xi32, #tpu.memory_space<hbm>>
      %dma_start3A_25 = tpu.memref_squeeze %dma_start3A_24 : memref<1x125x80xi32, #tpu.memory_space<hbm>> -> memref<125x80xi32, #tpu.memory_space<hbm>>
      %dma_start3A_26 = arith.constant 0 : i32
      %dma_start3A_27 = arith.constant 0 : i32
      %dma_start3A_28 = tpu.memref_slice %arg3[%add3A, %dma_start3A_26, %dma_start3A_27] : memref<32x125x80xi32, #tpu.memory_space<hbm>> -> memref<1x125x80xi32, #tpu.memory_space<hbm>>
      %dma_start3A_29 = tpu.memref_squeeze %dma_start3A_28 : memref<1x125x80xi32, #tpu.memory_space<hbm>> -> memref<125x80xi32, #tpu.memory_space<hbm>>
      tpu.enqueue_dma source(%dma_start3A_29 : memref<125x80xi32, #tpu.memory_space<hbm>>) target(%arg7 : memref<125x80xi32, #tpu.memory_space<vmem>>) target_semaphore(%run_scoped3A : memref<!tpu.dma_semaphore, #tpu.memory_space<semaphore_mem>>)
      %dma_wait3A = arith.constant 0 : i32
      %dma_wait3A_30 = arith.constant 0 : i32
      %dma_wait3A_31 = tpu.memref_slice %arg3[%add3A, %dma_wait3A, %dma_wait3A_30] : memref<32x125x80xi32, #tpu.memory_space<hbm>> -> memref<1x125x80xi32, #tpu.memory_space<hbm>>
      %dma_wait3A_32 = tpu.memref_squeeze %dma_wait3A_31 : memref<1x125x80xi32, #tpu.memory_space<hbm>> -> memref<125x80xi32, #tpu.memory_space<hbm>>
      %dma_wait3A_33 = arith.constant 0 : i32
      %dma_wait3A_34 = arith.constant 0 : i32
      %dma_wait3A_35 = tpu.memref_slice %arg3[%add3A, %dma_wait3A_33, %dma_wait3A_34] : memref<32x125x80xi32, #tpu.memory_space<hbm>> -> memref<1x125x80xi32, #tpu.memory_space<hbm>>
      %dma_wait3A_36 = tpu.memref_squeeze %dma_wait3A_35 : memref<1x125x80xi32, #tpu.memory_space<hbm>> -> memref<125x80xi32, #tpu.memory_space<hbm>>
      tpu.wait_dma2 semaphore(%run_scoped3A : memref<!tpu.dma_semaphore, #tpu.memory_space<semaphore_mem>>) src(%dma_wait3A_36 : memref<125x80xi32, #tpu.memory_space<hbm>>) dst(%arg7 : memref<125x80xi32, #tpu.memory_space<vmem>>)
      tpu.yield
    }) : () -> ()
    "tpu.region"() ({
      %run_scoped3A = tpu.sem_alloc : memref<!tpu.dma_semaphore, #tpu.memory_space<semaphore_mem>>
      %dma_start3A = arith.constant 0 : i32
      %dma_start3A_23 = arith.constant 0 : i32
      %dma_start3A_24 = tpu.memref_slice %arg4[%add3A, %dma_start3A, %dma_start3A_23] : memref<32x125x80xi32, #tpu.memory_space<hbm>> -> memref<1x125x80xi32, #tpu.memory_space<hbm>>
      %dma_start3A_25 = tpu.memref_squeeze %dma_start3A_24 : memref<1x125x80xi32, #tpu.memory_space<hbm>> -> memref<125x80xi32, #tpu.memory_space<hbm>>
      %dma_start3A_26 = arith.constant 0 : i32
      %dma_start3A_27 = arith.constant 0 : i32
      %dma_start3A_28 = tpu.memref_slice %arg4[%add3A, %dma_start3A_26, %dma_start3A_27] : memref<32x125x80xi32, #tpu.memory_space<hbm>> -> memref<1x125x80xi32, #tpu.memory_space<hbm>>
      %dma_start3A_29 = tpu.memref_squeeze %dma_start3A_28 : memref<1x125x80xi32, #tpu.memory_space<hbm>> -> memref<125x80xi32, #tpu.memory_space<hbm>>
      tpu.enqueue_dma source(%dma_start3A_29 : memref<125x80xi32, #tpu.memory_space<hbm>>) target(%arg8 : memref<125x80xi32, #tpu.memory_space<vmem>>) target_semaphore(%run_scoped3A : memref<!tpu.dma_semaphore, #tpu.memory_space<semaphore_mem>>)
      %dma_wait3A = arith.constant 0 : i32
      %dma_wait3A_30 = arith.constant 0 : i32
      %dma_wait3A_31 = tpu.memref_slice %arg4[%add3A, %dma_wait3A, %dma_wait3A_30] : memref<32x125x80xi32, #tpu.memory_space<hbm>> -> memref<1x125x80xi32, #tpu.memory_space<hbm>>
      %dma_wait3A_32 = tpu.memref_squeeze %dma_wait3A_31 : memref<1x125x80xi32, #tpu.memory_space<hbm>> -> memref<125x80xi32, #tpu.memory_space<hbm>>
      %dma_wait3A_33 = arith.constant 0 : i32
      %dma_wait3A_34 = arith.constant 0 : i32
      %dma_wait3A_35 = tpu.memref_slice %arg4[%add3A, %dma_wait3A_33, %dma_wait3A_34] : memref<32x125x80xi32, #tpu.memory_space<hbm>> -> memref<1x125x80xi32, #tpu.memory_space<hbm>>
      %dma_wait3A_36 = tpu.memref_squeeze %dma_wait3A_35 : memref<1x125x80xi32, #tpu.memory_space<hbm>> -> memref<125x80xi32, #tpu.memory_space<hbm>>
      tpu.wait_dma2 semaphore(%run_scoped3A : memref<!tpu.dma_semaphore, #tpu.memory_space<semaphore_mem>>) src(%dma_wait3A_36 : memref<125x80xi32, #tpu.memory_space<hbm>>) dst(%arg8 : memref<125x80xi32, #tpu.memory_space<vmem>>)
      tpu.yield
    }) : () -> ()
    %lt3A = arith.constant 15 : i32
    %lt3A_1 = arith.cmpi slt, %arg1, %lt3A : i32
    %convert_element_type3A = arith.extui %lt3A_1 : i1 to i32
    %cond3A = arith.constant 0 : i32
    %cond3A_2 = arith.cmpi ne, %convert_element_type3A, %cond3A : i32
    scf.if %cond3A_2 {
      %mul3A_23 = arith.constant 624 : i32
      %mul3A_24 = arith.muli %arg1, %mul3A_23 : i32
      "tpu.region"() ({
        %run_scoped3A = tpu.sem_alloc : memref<!tpu.dma_semaphore, #tpu.memory_space<semaphore_mem>>
        %dma_start3A = arith.constant 0 : i32
        %dma_start3A_25 = tpu.memref_slice %arg10[%mul3A_24, %dma_start3A] : memref<10000x128xf32, #tpu.memory_space<vmem_shared>> -> memref<624x128xf32, #tpu.memory_space<vmem_shared>>
        %dma_start3A_26 = arith.constant 0 : i32
        %dma_start3A_27 = tpu.memref_slice %arg5[%mul3A_24, %dma_start3A_26] : memref<10000x128xf32, #tpu.memory_space<hbm>> -> memref<624x128xf32, #tpu.memory_space<hbm>>
        tpu.enqueue_dma source(%dma_start3A_27 : memref<624x128xf32, #tpu.memory_space<hbm>>) target(%dma_start3A_25 : memref<624x128xf32, #tpu.memory_space<vmem_shared>>) target_semaphore(%run_scoped3A : memref<!tpu.dma_semaphore, #tpu.memory_space<semaphore_mem>>)
        %dma_wait3A = arith.constant 0 : i32
        %dma_wait3A_28 = tpu.memref_slice %arg10[%mul3A_24, %dma_wait3A] : memref<10000x128xf32, #tpu.memory_space<vmem_shared>> -> memref<624x128xf32, #tpu.memory_space<vmem_shared>>
        %dma_wait3A_29 = arith.constant 0 : i32
        %dma_wait3A_30 = tpu.memref_slice %arg5[%mul3A_24, %dma_wait3A_29] : memref<10000x128xf32, #tpu.memory_space<hbm>> -> memref<624x128xf32, #tpu.memory_space<hbm>>
        tpu.wait_dma2 semaphore(%run_scoped3A : memref<!tpu.dma_semaphore, #tpu.memory_space<semaphore_mem>>) src(%dma_wait3A_30 : memref<624x128xf32, #tpu.memory_space<hbm>>) dst(%dma_wait3A_28 : memref<624x128xf32, #tpu.memory_space<vmem_shared>>)
        tpu.yield
      }) : () -> ()
    } else {
    }
    %eq3A = arith.constant 15 : i32
    %eq3A_3 = arith.cmpi eq, %arg1, %eq3A : i32
    %convert_element_type3A_4 = arith.extui %eq3A_3 : i1 to i32
    %cond3A_5 = arith.constant 0 : i32
    %cond3A_6 = arith.cmpi ne, %convert_element_type3A_4, %cond3A_5 : i32
    scf.if %cond3A_6 {
      "tpu.region"() ({
        %run_scoped3A = tpu.sem_alloc : memref<!tpu.dma_semaphore, #tpu.memory_space<semaphore_mem>>
        %dma_start3A = arith.constant 9360 : i32
        %dma_start3A_23 = arith.constant 0 : i32
        %dma_start3A_24 = tpu.memref_slice %arg10[%dma_start3A, %dma_start3A_23] : memref<10000x128xf32, #tpu.memory_space<vmem_shared>> -> memref<640x128xf32, #tpu.memory_space<vmem_shared>>
        %dma_start3A_25 = arith.constant 9360 : i32
        %dma_start3A_26 = arith.constant 0 : i32
        %dma_start3A_27 = tpu.memref_slice %arg5[%dma_start3A_25, %dma_start3A_26] : memref<10000x128xf32, #tpu.memory_space<hbm>> -> memref<640x128xf32, #tpu.memory_space<hbm>>
        tpu.enqueue_dma source(%dma_start3A_27 : memref<640x128xf32, #tpu.memory_space<hbm>>) target(%dma_start3A_24 : memref<640x128xf32, #tpu.memory_space<vmem_shared>>) target_semaphore(%run_scoped3A : memref<!tpu.dma_semaphore, #tpu.memory_space<semaphore_mem>>)
        %dma_wait3A = arith.constant 9360 : i32
        %dma_wait3A_28 = arith.constant 0 : i32
        %dma_wait3A_29 = tpu.memref_slice %arg10[%dma_wait3A, %dma_wait3A_28] : memref<10000x128xf32, #tpu.memory_space<vmem_shared>> -> memref<640x128xf32, #tpu.memory_space<vmem_shared>>
        %dma_wait3A_30 = arith.constant 9360 : i32
        %dma_wait3A_31 = arith.constant 0 : i32
        %dma_wait3A_32 = tpu.memref_slice %arg5[%dma_wait3A_30, %dma_wait3A_31] : memref<10000x128xf32, #tpu.memory_space<hbm>> -> memref<640x128xf32, #tpu.memory_space<hbm>>
        tpu.wait_dma2 semaphore(%run_scoped3A : memref<!tpu.dma_semaphore, #tpu.memory_space<semaphore_mem>>) src(%dma_wait3A_32 : memref<640x128xf32, #tpu.memory_space<hbm>>) dst(%dma_wait3A_29 : memref<640x128xf32, #tpu.memory_space<vmem_shared>>)
        tpu.yield
      }) : () -> ()
    } else {
    }
    %barrier3A = arith.constant 0 : index
    tpu.barrier barrier_id(%barrier3A)
    %scan3A = arith.constant 0 : i64
    %scan3A_7 = arith.constant 0 : i32
    %scan3A_8 = arith.constant 125 : i32
    %scan3A_9 = arith.addi %scan3A_7, %scan3A_8 : i32
    %scan3A_10 = arith.constant 1 : i32
    scf.for %scan3A_23 = %scan3A_7 to %scan3A_9 step %scan3A_10  : i32 {
      %dma_start3A = arith.constant 0 : i32
      %dma_start3A_24 = tpu.memref_slice %arg7[%scan3A_23, %dma_start3A] : memref<125x80xi32, #tpu.memory_space<vmem>> -> memref<1x80xi32, #tpu.memory_space<vmem>>
      %dma_start3A_25 = tpu.memref_squeeze %dma_start3A_24 : memref<1x80xi32, #tpu.memory_space<vmem>> -> memref<80xi32, #tpu.memory_space<vmem>>
      %dma_start3A_26 = arith.constant 0 : i32
      %dma_start3A_27 = arith.constant 0 : i32
      %dma_start3A_28 = tpu.memref_slice %arg2[%dma_start3A_26, %dma_start3A_27] : memref<10000x128xf32, #tpu.memory_space<hbm>> -> memref<10000x128xf32, #tpu.memory_space<hbm>>
      tpu.enqueue_indirect_dma source(%dma_start3A_28 : memref<10000x128xf32, #tpu.memory_space<hbm>>) target(%arg9 : memref<80x128xf32, #tpu.memory_space<vmem>>) offsets(%dma_start3A_25 : memref<80xi32, #tpu.memory_space<vmem>>) semaphore(%arg11 : memref<!tpu.dma_semaphore, #tpu.memory_space<semaphore_mem>>)
      %dma_wait3A = arith.constant 0 : i32
      %dma_wait3A_29 = tpu.memref_slice %arg7[%scan3A_23, %dma_wait3A] : memref<125x80xi32, #tpu.memory_space<vmem>> -> memref<1x80xi32, #tpu.memory_space<vmem>>
      %dma_wait3A_30 = tpu.memref_squeeze %dma_wait3A_29 : memref<1x80xi32, #tpu.memory_space<vmem>> -> memref<80xi32, #tpu.memory_space<vmem>>
      %dma_wait3A_31 = arith.constant 0 : i32
      %dma_wait3A_32 = arith.constant 0 : i32
      %dma_wait3A_33 = tpu.memref_slice %arg2[%dma_wait3A_31, %dma_wait3A_32] : memref<10000x128xf32, #tpu.memory_space<hbm>> -> memref<10000x128xf32, #tpu.memory_space<hbm>>
      tpu.wait_indirect_dma semaphore(%arg11 : memref<!tpu.dma_semaphore, #tpu.memory_space<semaphore_mem>>) src(%dma_wait3A_33 : memref<10000x128xf32, #tpu.memory_space<hbm>>) dst(%arg9 : memref<80x128xf32, #tpu.memory_space<vmem>>)
      "tpu.region"() ({
        %run_scoped3A = tpu.sem_alloc : memref<!tpu.dma_semaphore, #tpu.memory_space<semaphore_mem>>
        %dma_start3A_34 = arith.constant 0 : i32
        %dma_start3A_35 = tpu.memref_slice %arg8[%scan3A_23, %dma_start3A_34] : memref<125x80xi32, #tpu.memory_space<vmem>> -> memref<1x80xi32, #tpu.memory_space<vmem>>
        %dma_start3A_36 = tpu.memref_squeeze %dma_start3A_35 : memref<1x80xi32, #tpu.memory_space<vmem>> -> memref<80xi32, #tpu.memory_space<vmem>>
        %dma_start3A_37 = arith.constant 0 : i32
        %dma_start3A_38 = arith.constant 0 : i32
        %dma_start3A_39 = tpu.memref_slice %arg10[%dma_start3A_37, %dma_start3A_38] : memref<10000x128xf32, #tpu.memory_space<vmem_shared>> -> memref<10000x128xf32, #tpu.memory_space<vmem_shared>>
        tpu.enqueue_indirect_dma source(%arg9 : memref<80x128xf32, #tpu.memory_space<vmem>>) target(%dma_start3A_39 : memref<10000x128xf32, #tpu.memory_space<vmem_shared>>) offsets(%dma_start3A_36 : memref<80xi32, #tpu.memory_space<vmem>>) semaphore(%run_scoped3A : memref<!tpu.dma_semaphore, #tpu.memory_space<semaphore_mem>>) {add = true}
        %dma_wait3A_40 = arith.constant 0 : i32
        %dma_wait3A_41 = tpu.memref_slice %arg8[%scan3A_23, %dma_wait3A_40] : memref<125x80xi32, #tpu.memory_space<vmem>> -> memref<1x80xi32, #tpu.memory_space<vmem>>
        %dma_wait3A_42 = tpu.memref_squeeze %dma_wait3A_41 : memref<1x80xi32, #tpu.memory_space<vmem>> -> memref<80xi32, #tpu.memory_space<vmem>>
        %dma_wait3A_43 = arith.constant 0 : i32
        %dma_wait3A_44 = arith.constant 0 : i32
        %dma_wait3A_45 = tpu.memref_slice %arg10[%dma_wait3A_43, %dma_wait3A_44] : memref<10000x128xf32, #tpu.memory_space<vmem_shared>> -> memref<10000x128xf32, #tpu.memory_space<vmem_shared>>
        tpu.wait_indirect_dma semaphore(%run_scoped3A : memref<!tpu.dma_semaphore, #tpu.memory_space<semaphore_mem>>) src(%arg9 : memref<80x128xf32, #tpu.memory_space<vmem>>) dst(%dma_wait3A_45 : memref<10000x128xf32, #tpu.memory_space<vmem_shared>>)
        tpu.yield
      }) : () -> ()
    }
    %scan3A_11 = arith.constant 125 : i32
    %barrier3A_12 = arith.constant 0 : index
    tpu.barrier barrier_id(%barrier3A_12)
    %lt3A_13 = arith.constant 15 : i32
    %lt3A_14 = arith.cmpi slt, %arg1, %lt3A_13 : i32
    %convert_element_type3A_15 = arith.extui %lt3A_14 : i1 to i32
    %cond3A_16 = arith.constant 0 : i32
    %cond3A_17 = arith.cmpi ne, %convert_element_type3A_15, %cond3A_16 : i32
    scf.if %cond3A_17 {
      %mul3A_23 = arith.constant 624 : i32
      %mul3A_24 = arith.muli %arg1, %mul3A_23 : i32
      "tpu.region"() ({
        %run_scoped3A = tpu.sem_alloc : memref<!tpu.dma_semaphore, #tpu.memory_space<semaphore_mem>>
        %dma_start3A = arith.constant 0 : i32
        %dma_start3A_25 = tpu.memref_slice %arg6[%arg0, %mul3A_24, %dma_start3A] : memref<2x10000x128xf32, #tpu.memory_space<hbm>> -> memref<1x624x128xf32, #tpu.memory_space<hbm>>
        %dma_start3A_26 = tpu.memref_squeeze %dma_start3A_25 : memref<1x624x128xf32, #tpu.memory_space<hbm>> -> memref<624x128xf32, #tpu.memory_space<hbm>>
        %dma_start3A_27 = arith.constant 0 : i32
        %dma_start3A_28 = tpu.memref_slice %arg10[%mul3A_24, %dma_start3A_27] : memref<10000x128xf32, #tpu.memory_space<vmem_shared>> -> memref<624x128xf32, #tpu.memory_space<vmem_shared>>
        tpu.enqueue_dma source(%dma_start3A_28 : memref<624x128xf32, #tpu.memory_space<vmem_shared>>) target(%dma_start3A_26 : memref<624x128xf32, #tpu.memory_space<hbm>>) target_semaphore(%run_scoped3A : memref<!tpu.dma_semaphore, #tpu.memory_space<semaphore_mem>>)
        %dma_wait3A = arith.constant 0 : i32
        %dma_wait3A_29 = tpu.memref_slice %arg6[%arg0, %mul3A_24, %dma_wait3A] : memref<2x10000x128xf32, #tpu.memory_space<hbm>> -> memref<1x624x128xf32, #tpu.memory_space<hbm>>
        %dma_wait3A_30 = tpu.memref_squeeze %dma_wait3A_29 : memref<1x624x128xf32, #tpu.memory_space<hbm>> -> memref<624x128xf32, #tpu.memory_space<hbm>>
        %dma_wait3A_31 = arith.constant 0 : i32
        %dma_wait3A_32 = tpu.memref_slice %arg10[%mul3A_24, %dma_wait3A_31] : memref<10000x128xf32, #tpu.memory_space<vmem_shared>> -> memref<624x128xf32, #tpu.memory_space<vmem_shared>>
        tpu.wait_dma2 semaphore(%run_scoped3A : memref<!tpu.dma_semaphore, #tpu.memory_space<semaphore_mem>>) src(%dma_wait3A_32 : memref<624x128xf32, #tpu.memory_space<vmem_shared>>) dst(%dma_wait3A_30 : memref<624x128xf32, #tpu.memory_space<hbm>>)
        tpu.yield
      }) : () -> ()
    } else {
    }
    %eq3A_18 = arith.constant 15 : i32
    %eq3A_19 = arith.cmpi eq, %arg1, %eq3A_18 : i32
    %convert_element_type3A_20 = arith.extui %eq3A_19 : i1 to i32
    %cond3A_21 = arith.constant 0 : i32
    %cond3A_22 = arith.cmpi ne, %convert_element_type3A_20, %cond3A_21 : i32
    scf.if %cond3A_22 {
      "tpu.region"() ({
        %run_scoped3A = tpu.sem_alloc : memref<!tpu.dma_semaphore, #tpu.memory_space<semaphore_mem>>
        %dma_start3A = arith.constant 9360 : i32
        %dma_start3A_23 = arith.constant 0 : i32
        %dma_start3A_24 = tpu.memref_slice %arg6[%arg0, %dma_start3A, %dma_start3A_23] : memref<2x10000x128xf32, #tpu.memory_space<hbm>> -> memref<1x640x128xf32, #tpu.memory_space<hbm>>
        %dma_start3A_25 = tpu.memref_squeeze %dma_start3A_24 : memref<1x640x128xf32, #tpu.memory_space<hbm>> -> memref<640x128xf32, #tpu.memory_space<hbm>>
        %dma_start3A_26 = arith.constant 9360 : i32
        %dma_start3A_27 = arith.constant 0 : i32
        %dma_start3A_28 = tpu.memref_slice %arg10[%dma_start3A_26, %dma_start3A_27] : memref<10000x128xf32, #tpu.memory_space<vmem_shared>> -> memref<640x128xf32, #tpu.memory_space<vmem_shared>>
        tpu.enqueue_dma source(%dma_start3A_28 : memref<640x128xf32, #tpu.memory_space<vmem_shared>>) target(%dma_start3A_25 : memref<640x128xf32, #tpu.memory_space<hbm>>) target_semaphore(%run_scoped3A : memref<!tpu.dma_semaphore, #tpu.memory_space<semaphore_mem>>)
        %dma_wait3A = arith.constant 9360 : i32
        %dma_wait3A_29 = arith.constant 0 : i32
        %dma_wait3A_30 = tpu.memref_slice %arg6[%arg0, %dma_wait3A, %dma_wait3A_29] : memref<2x10000x128xf32, #tpu.memory_space<hbm>> -> memref<1x640x128xf32, #tpu.memory_space<hbm>>
        %dma_wait3A_31 = tpu.memref_squeeze %dma_wait3A_30 : memref<1x640x128xf32, #tpu.memory_space<hbm>> -> memref<640x128xf32, #tpu.memory_space<hbm>>
        %dma_wait3A_32 = arith.constant 9360 : i32
        %dma_wait3A_33 = arith.constant 0 : i32
        %dma_wait3A_34 = tpu.memref_slice %arg10[%dma_wait3A_32, %dma_wait3A_33] : memref<10000x128xf32, #tpu.memory_space<vmem_shared>> -> memref<640x128xf32, #tpu.memory_space<vmem_shared>>
        tpu.wait_dma2 semaphore(%run_scoped3A : memref<!tpu.dma_semaphore, #tpu.memory_space<semaphore_mem>>) src(%dma_wait3A_34 : memref<640x128xf32, #tpu.memory_space<vmem_shared>>) dst(%dma_wait3A_31 : memref<640x128xf32, #tpu.memory_space<hbm>>)
        tpu.yield
      }) : () -> ()
    } else {
    }
    return
  }
}

#map = affine_map<(d0, d1) -> (0, 0)>
#map1 = affine_map<(d0, d1) -> (0, 0, 0)>
module attributes {stable_mosaic.version = 14 : i64} {
  func.func @body(%arg0: i32, %arg1: i32, %arg2: memref<5000x128xf32, #tpu.memory_space<hbm>>, %arg3: memref<32x125x80xi32, #tpu.memory_space<hbm>>, %arg4: memref<32x125x80xi32, #tpu.memory_space<hbm>>, %arg5: memref<10000x128xf32, #tpu.memory_space<hbm>>, %arg6: memref<2x10000x128xf32, #tpu.memory_space<hbm>>, %arg7: memref<125x80xi32, #tpu.memory_space<vmem>>, %arg8: memref<125x80xi32, #tpu.memory_space<vmem>>, %arg9: memref<80x128xf32, #tpu.memory_space<vmem>>, %arg10: memref<10000x128xf32, #tpu.memory_space<vmem_shared>>, %arg11: memref<!tpu.dma_semaphore, #tpu.memory_space<semaphore_mem>>) attributes {dimension_semantics = [#tpu.dimension_semantics<core_parallel>, #tpu.dimension_semantics<subcore_parallel>], iteration_bounds = array<i64: 2, 16>, scalar_prefetch = 0 : i64, scratch_operands = 5 : i64, tpu.core_type = #tpu.core_type<sc_vector_subcore>, window_params = [{transform_indices = #map}, {transform_indices = #map1}, {transform_indices = #map1}, {transform_indices = #map}, {transform_indices = #map1}]} {
    %mul3A = arith.constant 16 : i32
    %mul3A_0 = arith.muli %arg0, %mul3A : i32
    %add3A = arith.addi %mul3A_0, %arg1 : i32
    "tpu.region"() ({
      %run_scoped3A = tpu.sem_alloc : memref<!tpu.dma_semaphore, #tpu.memory_space<semaphore_mem>>
      %dma_start3A = arith.constant 0 : i32
      %dma_start3A_23 = arith.constant 0 : i32
      %dma_start3A_24 = tpu.memref_slice %arg3[%add3A, %dma_start3A, %dma_start3A_23] : memref<32x125x80xi32, #tpu.memory_space<hbm>> -> memref<1x125x80xi32, #tpu.memory_space<hbm>>
      %dma_start3A_25 = tpu.memref_squeeze %dma_start3A_24 : memref<1x125x80xi32, #tpu.memory_space<hbm>> -> memref<125x80xi32, #tpu.memory_space<hbm>>
      %dma_start3A_26 = arith.constant 0 : i32
      %dma_start3A_27 = arith.constant 0 : i32
      %dma_start3A_28 = tpu.memref_slice %arg3[%add3A, %dma_start3A_26, %dma_start3A_27] : memref<32x125x80xi32, #tpu.memory_space<hbm>> -> memref<1x125x80xi32, #tpu.memory_space<hbm>>
      %dma_start3A_29 = tpu.memref_squeeze %dma_start3A_28 : memref<1x125x80xi32, #tpu.memory_space<hbm>> -> memref<125x80xi32, #tpu.memory_space<hbm>>
      tpu.enqueue_dma source(%dma_start3A_29 : memref<125x80xi32, #tpu.memory_space<hbm>>) target(%arg7 : memref<125x80xi32, #tpu.memory_space<vmem>>) target_semaphore(%run_scoped3A : memref<!tpu.dma_semaphore, #tpu.memory_space<semaphore_mem>>)
      %dma_wait3A = arith.constant 0 : i32
      %dma_wait3A_30 = arith.constant 0 : i32
      %dma_wait3A_31 = tpu.memref_slice %arg3[%add3A, %dma_wait3A, %dma_wait3A_30] : memref<32x125x80xi32, #tpu.memory_space<hbm>> -> memref<1x125x80xi32, #tpu.memory_space<hbm>>
      %dma_wait3A_32 = tpu.memref_squeeze %dma_wait3A_31 : memref<1x125x80xi32, #tpu.memory_space<hbm>> -> memref<125x80xi32, #tpu.memory_space<hbm>>
      %dma_wait3A_33 = arith.constant 0 : i32
      %dma_wait3A_34 = arith.constant 0 : i32
      %dma_wait3A_35 = tpu.memref_slice %arg3[%add3A, %dma_wait3A_33, %dma_wait3A_34] : memref<32x125x80xi32, #tpu.memory_space<hbm>> -> memref<1x125x80xi32, #tpu.memory_space<hbm>>
      %dma_wait3A_36 = tpu.memref_squeeze %dma_wait3A_35 : memref<1x125x80xi32, #tpu.memory_space<hbm>> -> memref<125x80xi32, #tpu.memory_space<hbm>>
      tpu.wait_dma2 semaphore(%run_scoped3A : memref<!tpu.dma_semaphore, #tpu.memory_space<semaphore_mem>>) src(%dma_wait3A_36 : memref<125x80xi32, #tpu.memory_space<hbm>>) dst(%arg7 : memref<125x80xi32, #tpu.memory_space<vmem>>)
      tpu.yield
    }) : () -> ()
    "tpu.region"() ({
      %run_scoped3A = tpu.sem_alloc : memref<!tpu.dma_semaphore, #tpu.memory_space<semaphore_mem>>
      %dma_start3A = arith.constant 0 : i32
      %dma_start3A_23 = arith.constant 0 : i32
      %dma_start3A_24 = tpu.memref_slice %arg4[%add3A, %dma_start3A, %dma_start3A_23] : memref<32x125x80xi32, #tpu.memory_space<hbm>> -> memref<1x125x80xi32, #tpu.memory_space<hbm>>
      %dma_start3A_25 = tpu.memref_squeeze %dma_start3A_24 : memref<1x125x80xi32, #tpu.memory_space<hbm>> -> memref<125x80xi32, #tpu.memory_space<hbm>>
      %dma_start3A_26 = arith.constant 0 : i32
      %dma_start3A_27 = arith.constant 0 : i32
      %dma_start3A_28 = tpu.memref_slice %arg4[%add3A, %dma_start3A_26, %dma_start3A_27] : memref<32x125x80xi32, #tpu.memory_space<hbm>> -> memref<1x125x80xi32, #tpu.memory_space<hbm>>
      %dma_start3A_29 = tpu.memref_squeeze %dma_start3A_28 : memref<1x125x80xi32, #tpu.memory_space<hbm>> -> memref<125x80xi32, #tpu.memory_space<hbm>>
      tpu.enqueue_dma source(%dma_start3A_29 : memref<125x80xi32, #tpu.memory_space<hbm>>) target(%arg8 : memref<125x80xi32, #tpu.memory_space<vmem>>) target_semaphore(%run_scoped3A : memref<!tpu.dma_semaphore, #tpu.memory_space<semaphore_mem>>)
      %dma_wait3A = arith.constant 0 : i32
      %dma_wait3A_30 = arith.constant 0 : i32
      %dma_wait3A_31 = tpu.memref_slice %arg4[%add3A, %dma_wait3A, %dma_wait3A_30] : memref<32x125x80xi32, #tpu.memory_space<hbm>> -> memref<1x125x80xi32, #tpu.memory_space<hbm>>
      %dma_wait3A_32 = tpu.memref_squeeze %dma_wait3A_31 : memref<1x125x80xi32, #tpu.memory_space<hbm>> -> memref<125x80xi32, #tpu.memory_space<hbm>>
      %dma_wait3A_33 = arith.constant 0 : i32
      %dma_wait3A_34 = arith.constant 0 : i32
      %dma_wait3A_35 = tpu.memref_slice %arg4[%add3A, %dma_wait3A_33, %dma_wait3A_34] : memref<32x125x80xi32, #tpu.memory_space<hbm>> -> memref<1x125x80xi32, #tpu.memory_space<hbm>>
      %dma_wait3A_36 = tpu.memref_squeeze %dma_wait3A_35 : memref<1x125x80xi32, #tpu.memory_space<hbm>> -> memref<125x80xi32, #tpu.memory_space<hbm>>
      tpu.wait_dma2 semaphore(%run_scoped3A : memref<!tpu.dma_semaphore, #tpu.memory_space<semaphore_mem>>) src(%dma_wait3A_36 : memref<125x80xi32, #tpu.memory_space<hbm>>) dst(%arg8 : memref<125x80xi32, #tpu.memory_space<vmem>>)
      tpu.yield
    }) : () -> ()
    %lt3A = arith.constant 15 : i32
    %lt3A_1 = arith.cmpi slt, %arg1, %lt3A : i32
    %convert_element_type3A = arith.extui %lt3A_1 : i1 to i32
    %cond3A = arith.constant 0 : i32
    %cond3A_2 = arith.cmpi ne, %convert_element_type3A, %cond3A : i32
    scf.if %cond3A_2 {
      %mul3A_23 = arith.constant 624 : i32
      %mul3A_24 = arith.muli %arg1, %mul3A_23 : i32
      "tpu.region"() ({
        %run_scoped3A = tpu.sem_alloc : memref<!tpu.dma_semaphore, #tpu.memory_space<semaphore_mem>>
        %dma_start3A = arith.constant 0 : i32
        %dma_start3A_25 = tpu.memref_slice %arg10[%mul3A_24, %dma_start3A] : memref<10000x128xf32, #tpu.memory_space<vmem_shared>> -> memref<624x128xf32, #tpu.memory_space<vmem_shared>>
        %dma_start3A_26 = arith.constant 0 : i32
        %dma_start3A_27 = tpu.memref_slice %arg5[%mul3A_24, %dma_start3A_26] : memref<10000x128xf32, #tpu.memory_space<hbm>> -> memref<624x128xf32, #tpu.memory_space<hbm>>
        tpu.enqueue_dma source(%dma_start3A_27 : memref<624x128xf32, #tpu.memory_space<hbm>>) target(%dma_start3A_25 : memref<624x128xf32, #tpu.memory_space<vmem_shared>>) target_semaphore(%run_scoped3A : memref<!tpu.dma_semaphore, #tpu.memory_space<semaphore_mem>>)
        %dma_wait3A = arith.constant 0 : i32
        %dma_wait3A_28 = tpu.memref_slice %arg10[%mul3A_24, %dma_wait3A] : memref<10000x128xf32, #tpu.memory_space<vmem_shared>> -> memref<624x128xf32, #tpu.memory_space<vmem_shared>>
        %dma_wait3A_29 = arith.constant 0 : i32
        %dma_wait3A_30 = tpu.memref_slice %arg5[%mul3A_24, %dma_wait3A_29] : memref<10000x128xf32, #tpu.memory_space<hbm>> -> memref<624x128xf32, #tpu.memory_space<hbm>>
        tpu.wait_dma2 semaphore(%run_scoped3A : memref<!tpu.dma_semaphore, #tpu.memory_space<semaphore_mem>>) src(%dma_wait3A_30 : memref<624x128xf32, #tpu.memory_space<hbm>>) dst(%dma_wait3A_28 : memref<624x128xf32, #tpu.memory_space<vmem_shared>>)
        tpu.yield
      }) : () -> ()
    } else {
    }
    %eq3A = arith.constant 15 : i32
    %eq3A_3 = arith.cmpi eq, %arg1, %eq3A : i32
    %convert_element_type3A_4 = arith.extui %eq3A_3 : i1 to i32
    %cond3A_5 = arith.constant 0 : i32
    %cond3A_6 = arith.cmpi ne, %convert_element_type3A_4, %cond3A_5 : i32
    scf.if %cond3A_6 {
      "tpu.region"() ({
        %run_scoped3A = tpu.sem_alloc : memref<!tpu.dma_semaphore, #tpu.memory_space<semaphore_mem>>
        %dma_start3A = arith.constant 9360 : i32
        %dma_start3A_23 = arith.constant 0 : i32
        %dma_start3A_24 = tpu.memref_slice %arg10[%dma_start3A, %dma_start3A_23] : memref<10000x128xf32, #tpu.memory_space<vmem_shared>> -> memref<640x128xf32, #tpu.memory_space<vmem_shared>>
        %dma_start3A_25 = arith.constant 9360 : i32
        %dma_start3A_26 = arith.constant 0 : i32
        %dma_start3A_27 = tpu.memref_slice %arg5[%dma_start3A_25, %dma_start3A_26] : memref<10000x128xf32, #tpu.memory_space<hbm>> -> memref<640x128xf32, #tpu.memory_space<hbm>>
        tpu.enqueue_dma source(%dma_start3A_27 : memref<640x128xf32, #tpu.memory_space<hbm>>) target(%dma_start3A_24 : memref<640x128xf32, #tpu.memory_space<vmem_shared>>) target_semaphore(%run_scoped3A : memref<!tpu.dma_semaphore, #tpu.memory_space<semaphore_mem>>)
        %dma_wait3A = arith.constant 9360 : i32
        %dma_wait3A_28 = arith.constant 0 : i32
        %dma_wait3A_29 = tpu.memref_slice %arg10[%dma_wait3A, %dma_wait3A_28] : memref<10000x128xf32, #tpu.memory_space<vmem_shared>> -> memref<640x128xf32, #tpu.memory_space<vmem_shared>>
        %dma_wait3A_30 = arith.constant 9360 : i32
        %dma_wait3A_31 = arith.constant 0 : i32
        %dma_wait3A_32 = tpu.memref_slice %arg5[%dma_wait3A_30, %dma_wait3A_31] : memref<10000x128xf32, #tpu.memory_space<hbm>> -> memref<640x128xf32, #tpu.memory_space<hbm>>
        tpu.wait_dma2 semaphore(%run_scoped3A : memref<!tpu.dma_semaphore, #tpu.memory_space<semaphore_mem>>) src(%dma_wait3A_32 : memref<640x128xf32, #tpu.memory_space<hbm>>) dst(%dma_wait3A_29 : memref<640x128xf32, #tpu.memory_space<vmem_shared>>)
        tpu.yield
      }) : () -> ()
    } else {
    }
    %barrier3A = arith.constant 0 : index
    tpu.barrier barrier_id(%barrier3A)
    %scan3A = arith.constant 0 : i64
    %scan3A_7 = arith.constant 0 : i32
    %scan3A_8 = arith.constant 125 : i32
    %scan3A_9 = arith.addi %scan3A_7, %scan3A_8 : i32
    %scan3A_10 = arith.constant 1 : i32
    scf.for %scan3A_23 = %scan3A_7 to %scan3A_9 step %scan3A_10  : i32 {
      %dma_start3A = arith.constant 0 : i32
      %dma_start3A_24 = tpu.memref_slice %arg7[%scan3A_23, %dma_start3A] : memref<125x80xi32, #tpu.memory_space<vmem>> -> memref<1x80xi32, #tpu.memory_space<vmem>>
      %dma_start3A_25 = tpu.memref_squeeze %dma_start3A_24 : memref<1x80xi32, #tpu.memory_space<vmem>> -> memref<80xi32, #tpu.memory_space<vmem>>
      %dma_start3A_26 = arith.constant 0 : i32
      %dma_start3A_27 = arith.constant 0 : i32
      %dma_start3A_28 = tpu.memref_slice %arg2[%dma_start3A_26, %dma_start3A_27] : memref<5000x128xf32, #tpu.memory_space<hbm>> -> memref<5000x128xf32, #tpu.memory_space<hbm>>
      tpu.enqueue_indirect_dma source(%dma_start3A_28 : memref<5000x128xf32, #tpu.memory_space<hbm>>) target(%arg9 : memref<80x128xf32, #tpu.memory_space<vmem>>) offsets(%dma_start3A_25 : memref<80xi32, #tpu.memory_space<vmem>>) semaphore(%arg11 : memref<!tpu.dma_semaphore, #tpu.memory_space<semaphore_mem>>)
      %dma_wait3A = arith.constant 0 : i32
      %dma_wait3A_29 = tpu.memref_slice %arg7[%scan3A_23, %dma_wait3A] : memref<125x80xi32, #tpu.memory_space<vmem>> -> memref<1x80xi32, #tpu.memory_space<vmem>>
      %dma_wait3A_30 = tpu.memref_squeeze %dma_wait3A_29 : memref<1x80xi32, #tpu.memory_space<vmem>> -> memref<80xi32, #tpu.memory_space<vmem>>
      %dma_wait3A_31 = arith.constant 0 : i32
      %dma_wait3A_32 = arith.constant 0 : i32
      %dma_wait3A_33 = tpu.memref_slice %arg2[%dma_wait3A_31, %dma_wait3A_32] : memref<5000x128xf32, #tpu.memory_space<hbm>> -> memref<5000x128xf32, #tpu.memory_space<hbm>>
      tpu.wait_indirect_dma semaphore(%arg11 : memref<!tpu.dma_semaphore, #tpu.memory_space<semaphore_mem>>) src(%dma_wait3A_33 : memref<5000x128xf32, #tpu.memory_space<hbm>>) dst(%arg9 : memref<80x128xf32, #tpu.memory_space<vmem>>)
      "tpu.region"() ({
        %run_scoped3A = tpu.sem_alloc : memref<!tpu.dma_semaphore, #tpu.memory_space<semaphore_mem>>
        %dma_start3A_34 = arith.constant 0 : i32
        %dma_start3A_35 = tpu.memref_slice %arg8[%scan3A_23, %dma_start3A_34] : memref<125x80xi32, #tpu.memory_space<vmem>> -> memref<1x80xi32, #tpu.memory_space<vmem>>
        %dma_start3A_36 = tpu.memref_squeeze %dma_start3A_35 : memref<1x80xi32, #tpu.memory_space<vmem>> -> memref<80xi32, #tpu.memory_space<vmem>>
        %dma_start3A_37 = arith.constant 0 : i32
        %dma_start3A_38 = arith.constant 0 : i32
        %dma_start3A_39 = tpu.memref_slice %arg10[%dma_start3A_37, %dma_start3A_38] : memref<10000x128xf32, #tpu.memory_space<vmem_shared>> -> memref<10000x128xf32, #tpu.memory_space<vmem_shared>>
        tpu.enqueue_indirect_dma source(%arg9 : memref<80x128xf32, #tpu.memory_space<vmem>>) target(%dma_start3A_39 : memref<10000x128xf32, #tpu.memory_space<vmem_shared>>) offsets(%dma_start3A_36 : memref<80xi32, #tpu.memory_space<vmem>>) semaphore(%run_scoped3A : memref<!tpu.dma_semaphore, #tpu.memory_space<semaphore_mem>>) {add = true}
        %dma_wait3A_40 = arith.constant 0 : i32
        %dma_wait3A_41 = tpu.memref_slice %arg8[%scan3A_23, %dma_wait3A_40] : memref<125x80xi32, #tpu.memory_space<vmem>> -> memref<1x80xi32, #tpu.memory_space<vmem>>
        %dma_wait3A_42 = tpu.memref_squeeze %dma_wait3A_41 : memref<1x80xi32, #tpu.memory_space<vmem>> -> memref<80xi32, #tpu.memory_space<vmem>>
        %dma_wait3A_43 = arith.constant 0 : i32
        %dma_wait3A_44 = arith.constant 0 : i32
        %dma_wait3A_45 = tpu.memref_slice %arg10[%dma_wait3A_43, %dma_wait3A_44] : memref<10000x128xf32, #tpu.memory_space<vmem_shared>> -> memref<10000x128xf32, #tpu.memory_space<vmem_shared>>
        tpu.wait_indirect_dma semaphore(%run_scoped3A : memref<!tpu.dma_semaphore, #tpu.memory_space<semaphore_mem>>) src(%arg9 : memref<80x128xf32, #tpu.memory_space<vmem>>) dst(%dma_wait3A_45 : memref<10000x128xf32, #tpu.memory_space<vmem_shared>>)
        tpu.yield
      }) : () -> ()
    }
    %scan3A_11 = arith.constant 125 : i32
    %barrier3A_12 = arith.constant 0 : index
    tpu.barrier barrier_id(%barrier3A_12)
    %lt3A_13 = arith.constant 15 : i32
    %lt3A_14 = arith.cmpi slt, %arg1, %lt3A_13 : i32
    %convert_element_type3A_15 = arith.extui %lt3A_14 : i1 to i32
    %cond3A_16 = arith.constant 0 : i32
    %cond3A_17 = arith.cmpi ne, %convert_element_type3A_15, %cond3A_16 : i32
    scf.if %cond3A_17 {
      %mul3A_23 = arith.constant 624 : i32
      %mul3A_24 = arith.muli %arg1, %mul3A_23 : i32
      "tpu.region"() ({
        %run_scoped3A = tpu.sem_alloc : memref<!tpu.dma_semaphore, #tpu.memory_space<semaphore_mem>>
        %dma_start3A = arith.constant 0 : i32
        %dma_start3A_25 = tpu.memref_slice %arg6[%arg0, %mul3A_24, %dma_start3A] : memref<2x10000x128xf32, #tpu.memory_space<hbm>> -> memref<1x624x128xf32, #tpu.memory_space<hbm>>
        %dma_start3A_26 = tpu.memref_squeeze %dma_start3A_25 : memref<1x624x128xf32, #tpu.memory_space<hbm>> -> memref<624x128xf32, #tpu.memory_space<hbm>>
        %dma_start3A_27 = arith.constant 0 : i32
        %dma_start3A_28 = tpu.memref_slice %arg10[%mul3A_24, %dma_start3A_27] : memref<10000x128xf32, #tpu.memory_space<vmem_shared>> -> memref<624x128xf32, #tpu.memory_space<vmem_shared>>
        tpu.enqueue_dma source(%dma_start3A_28 : memref<624x128xf32, #tpu.memory_space<vmem_shared>>) target(%dma_start3A_26 : memref<624x128xf32, #tpu.memory_space<hbm>>) target_semaphore(%run_scoped3A : memref<!tpu.dma_semaphore, #tpu.memory_space<semaphore_mem>>)
        %dma_wait3A = arith.constant 0 : i32
        %dma_wait3A_29 = tpu.memref_slice %arg6[%arg0, %mul3A_24, %dma_wait3A] : memref<2x10000x128xf32, #tpu.memory_space<hbm>> -> memref<1x624x128xf32, #tpu.memory_space<hbm>>
        %dma_wait3A_30 = tpu.memref_squeeze %dma_wait3A_29 : memref<1x624x128xf32, #tpu.memory_space<hbm>> -> memref<624x128xf32, #tpu.memory_space<hbm>>
        %dma_wait3A_31 = arith.constant 0 : i32
        %dma_wait3A_32 = tpu.memref_slice %arg10[%mul3A_24, %dma_wait3A_31] : memref<10000x128xf32, #tpu.memory_space<vmem_shared>> -> memref<624x128xf32, #tpu.memory_space<vmem_shared>>
        tpu.wait_dma2 semaphore(%run_scoped3A : memref<!tpu.dma_semaphore, #tpu.memory_space<semaphore_mem>>) src(%dma_wait3A_32 : memref<624x128xf32, #tpu.memory_space<vmem_shared>>) dst(%dma_wait3A_30 : memref<624x128xf32, #tpu.memory_space<hbm>>)
        tpu.yield
      }) : () -> ()
    } else {
    }
    %eq3A_18 = arith.constant 15 : i32
    %eq3A_19 = arith.cmpi eq, %arg1, %eq3A_18 : i32
    %convert_element_type3A_20 = arith.extui %eq3A_19 : i1 to i32
    %cond3A_21 = arith.constant 0 : i32
    %cond3A_22 = arith.cmpi ne, %convert_element_type3A_20, %cond3A_21 : i32
    scf.if %cond3A_22 {
      "tpu.region"() ({
        %run_scoped3A = tpu.sem_alloc : memref<!tpu.dma_semaphore, #tpu.memory_space<semaphore_mem>>
        %dma_start3A = arith.constant 9360 : i32
        %dma_start3A_23 = arith.constant 0 : i32
        %dma_start3A_24 = tpu.memref_slice %arg6[%arg0, %dma_start3A, %dma_start3A_23] : memref<2x10000x128xf32, #tpu.memory_space<hbm>> -> memref<1x640x128xf32, #tpu.memory_space<hbm>>
        %dma_start3A_25 = tpu.memref_squeeze %dma_start3A_24 : memref<1x640x128xf32, #tpu.memory_space<hbm>> -> memref<640x128xf32, #tpu.memory_space<hbm>>
        %dma_start3A_26 = arith.constant 9360 : i32
        %dma_start3A_27 = arith.constant 0 : i32
        %dma_start3A_28 = tpu.memref_slice %arg10[%dma_start3A_26, %dma_start3A_27] : memref<10000x128xf32, #tpu.memory_space<vmem_shared>> -> memref<640x128xf32, #tpu.memory_space<vmem_shared>>
        tpu.enqueue_dma source(%dma_start3A_28 : memref<640x128xf32, #tpu.memory_space<vmem_shared>>) target(%dma_start3A_25 : memref<640x128xf32, #tpu.memory_space<hbm>>) target_semaphore(%run_scoped3A : memref<!tpu.dma_semaphore, #tpu.memory_space<semaphore_mem>>)
        %dma_wait3A = arith.constant 9360 : i32
        %dma_wait3A_29 = arith.constant 0 : i32
        %dma_wait3A_30 = tpu.memref_slice %arg6[%arg0, %dma_wait3A, %dma_wait3A_29] : memref<2x10000x128xf32, #tpu.memory_space<hbm>> -> memref<1x640x128xf32, #tpu.memory_space<hbm>>
        %dma_wait3A_31 = tpu.memref_squeeze %dma_wait3A_30 : memref<1x640x128xf32, #tpu.memory_space<hbm>> -> memref<640x128xf32, #tpu.memory_space<hbm>>
        %dma_wait3A_32 = arith.constant 9360 : i32
        %dma_wait3A_33 = arith.constant 0 : i32
        %dma_wait3A_34 = tpu.memref_slice %arg10[%dma_wait3A_32, %dma_wait3A_33] : memref<10000x128xf32, #tpu.memory_space<vmem_shared>> -> memref<640x128xf32, #tpu.memory_space<vmem_shared>>
        tpu.wait_dma2 semaphore(%run_scoped3A : memref<!tpu.dma_semaphore, #tpu.memory_space<semaphore_mem>>) src(%dma_wait3A_34 : memref<640x128xf32, #tpu.memory_space<vmem_shared>>) dst(%dma_wait3A_31 : memref<640x128xf32, #tpu.memory_space<hbm>>)
        tpu.yield
      }) : () -> ()
    } else {
    }
    return
  }
}

#map = affine_map<(d0, d1) -> (0, 0)>
#map1 = affine_map<(d0, d1) -> (0, 0, 0)>
module attributes {stable_mosaic.version = 14 : i64} {
  func.func @body(%arg0: i32, %arg1: i32, %arg2: memref<2500x128xf32, #tpu.memory_space<hbm>>, %arg3: memref<32x125x80xi32, #tpu.memory_space<hbm>>, %arg4: memref<32x125x80xi32, #tpu.memory_space<hbm>>, %arg5: memref<10000x128xf32, #tpu.memory_space<hbm>>, %arg6: memref<2x5000x128xf32, #tpu.memory_space<hbm>>, %arg7: memref<125x80xi32, #tpu.memory_space<vmem>>, %arg8: memref<125x80xi32, #tpu.memory_space<vmem>>, %arg9: memref<80x128xf32, #tpu.memory_space<vmem>>, %arg10: memref<5000x128xf32, #tpu.memory_space<vmem_shared>>, %arg11: memref<!tpu.dma_semaphore, #tpu.memory_space<semaphore_mem>>) attributes {dimension_semantics = [#tpu.dimension_semantics<core_parallel>, #tpu.dimension_semantics<subcore_parallel>], iteration_bounds = array<i64: 2, 16>, scalar_prefetch = 0 : i64, scratch_operands = 5 : i64, tpu.core_type = #tpu.core_type<sc_vector_subcore>, window_params = [{transform_indices = #map}, {transform_indices = #map1}, {transform_indices = #map1}, {transform_indices = #map}, {transform_indices = #map1}]} {
    %mul3A = arith.constant 16 : i32
    %mul3A_0 = arith.muli %arg0, %mul3A : i32
    %add3A = arith.addi %mul3A_0, %arg1 : i32
    "tpu.region"() ({
      %run_scoped3A = tpu.sem_alloc : memref<!tpu.dma_semaphore, #tpu.memory_space<semaphore_mem>>
      %dma_start3A = arith.constant 0 : i32
      %dma_start3A_23 = arith.constant 0 : i32
      %dma_start3A_24 = tpu.memref_slice %arg3[%add3A, %dma_start3A, %dma_start3A_23] : memref<32x125x80xi32, #tpu.memory_space<hbm>> -> memref<1x125x80xi32, #tpu.memory_space<hbm>>
      %dma_start3A_25 = tpu.memref_squeeze %dma_start3A_24 : memref<1x125x80xi32, #tpu.memory_space<hbm>> -> memref<125x80xi32, #tpu.memory_space<hbm>>
      %dma_start3A_26 = arith.constant 0 : i32
      %dma_start3A_27 = arith.constant 0 : i32
      %dma_start3A_28 = tpu.memref_slice %arg3[%add3A, %dma_start3A_26, %dma_start3A_27] : memref<32x125x80xi32, #tpu.memory_space<hbm>> -> memref<1x125x80xi32, #tpu.memory_space<hbm>>
      %dma_start3A_29 = tpu.memref_squeeze %dma_start3A_28 : memref<1x125x80xi32, #tpu.memory_space<hbm>> -> memref<125x80xi32, #tpu.memory_space<hbm>>
      tpu.enqueue_dma source(%dma_start3A_29 : memref<125x80xi32, #tpu.memory_space<hbm>>) target(%arg7 : memref<125x80xi32, #tpu.memory_space<vmem>>) target_semaphore(%run_scoped3A : memref<!tpu.dma_semaphore, #tpu.memory_space<semaphore_mem>>)
      %dma_wait3A = arith.constant 0 : i32
      %dma_wait3A_30 = arith.constant 0 : i32
      %dma_wait3A_31 = tpu.memref_slice %arg3[%add3A, %dma_wait3A, %dma_wait3A_30] : memref<32x125x80xi32, #tpu.memory_space<hbm>> -> memref<1x125x80xi32, #tpu.memory_space<hbm>>
      %dma_wait3A_32 = tpu.memref_squeeze %dma_wait3A_31 : memref<1x125x80xi32, #tpu.memory_space<hbm>> -> memref<125x80xi32, #tpu.memory_space<hbm>>
      %dma_wait3A_33 = arith.constant 0 : i32
      %dma_wait3A_34 = arith.constant 0 : i32
      %dma_wait3A_35 = tpu.memref_slice %arg3[%add3A, %dma_wait3A_33, %dma_wait3A_34] : memref<32x125x80xi32, #tpu.memory_space<hbm>> -> memref<1x125x80xi32, #tpu.memory_space<hbm>>
      %dma_wait3A_36 = tpu.memref_squeeze %dma_wait3A_35 : memref<1x125x80xi32, #tpu.memory_space<hbm>> -> memref<125x80xi32, #tpu.memory_space<hbm>>
      tpu.wait_dma2 semaphore(%run_scoped3A : memref<!tpu.dma_semaphore, #tpu.memory_space<semaphore_mem>>) src(%dma_wait3A_36 : memref<125x80xi32, #tpu.memory_space<hbm>>) dst(%arg7 : memref<125x80xi32, #tpu.memory_space<vmem>>)
      tpu.yield
    }) : () -> ()
    "tpu.region"() ({
      %run_scoped3A = tpu.sem_alloc : memref<!tpu.dma_semaphore, #tpu.memory_space<semaphore_mem>>
      %dma_start3A = arith.constant 0 : i32
      %dma_start3A_23 = arith.constant 0 : i32
      %dma_start3A_24 = tpu.memref_slice %arg4[%add3A, %dma_start3A, %dma_start3A_23] : memref<32x125x80xi32, #tpu.memory_space<hbm>> -> memref<1x125x80xi32, #tpu.memory_space<hbm>>
      %dma_start3A_25 = tpu.memref_squeeze %dma_start3A_24 : memref<1x125x80xi32, #tpu.memory_space<hbm>> -> memref<125x80xi32, #tpu.memory_space<hbm>>
      %dma_start3A_26 = arith.constant 0 : i32
      %dma_start3A_27 = arith.constant 0 : i32
      %dma_start3A_28 = tpu.memref_slice %arg4[%add3A, %dma_start3A_26, %dma_start3A_27] : memref<32x125x80xi32, #tpu.memory_space<hbm>> -> memref<1x125x80xi32, #tpu.memory_space<hbm>>
      %dma_start3A_29 = tpu.memref_squeeze %dma_start3A_28 : memref<1x125x80xi32, #tpu.memory_space<hbm>> -> memref<125x80xi32, #tpu.memory_space<hbm>>
      tpu.enqueue_dma source(%dma_start3A_29 : memref<125x80xi32, #tpu.memory_space<hbm>>) target(%arg8 : memref<125x80xi32, #tpu.memory_space<vmem>>) target_semaphore(%run_scoped3A : memref<!tpu.dma_semaphore, #tpu.memory_space<semaphore_mem>>)
      %dma_wait3A = arith.constant 0 : i32
      %dma_wait3A_30 = arith.constant 0 : i32
      %dma_wait3A_31 = tpu.memref_slice %arg4[%add3A, %dma_wait3A, %dma_wait3A_30] : memref<32x125x80xi32, #tpu.memory_space<hbm>> -> memref<1x125x80xi32, #tpu.memory_space<hbm>>
      %dma_wait3A_32 = tpu.memref_squeeze %dma_wait3A_31 : memref<1x125x80xi32, #tpu.memory_space<hbm>> -> memref<125x80xi32, #tpu.memory_space<hbm>>
      %dma_wait3A_33 = arith.constant 0 : i32
      %dma_wait3A_34 = arith.constant 0 : i32
      %dma_wait3A_35 = tpu.memref_slice %arg4[%add3A, %dma_wait3A_33, %dma_wait3A_34] : memref<32x125x80xi32, #tpu.memory_space<hbm>> -> memref<1x125x80xi32, #tpu.memory_space<hbm>>
      %dma_wait3A_36 = tpu.memref_squeeze %dma_wait3A_35 : memref<1x125x80xi32, #tpu.memory_space<hbm>> -> memref<125x80xi32, #tpu.memory_space<hbm>>
      tpu.wait_dma2 semaphore(%run_scoped3A : memref<!tpu.dma_semaphore, #tpu.memory_space<semaphore_mem>>) src(%dma_wait3A_36 : memref<125x80xi32, #tpu.memory_space<hbm>>) dst(%arg8 : memref<125x80xi32, #tpu.memory_space<vmem>>)
      tpu.yield
    }) : () -> ()
    %lt3A = arith.constant 15 : i32
    %lt3A_1 = arith.cmpi slt, %arg1, %lt3A : i32
    %convert_element_type3A = arith.extui %lt3A_1 : i1 to i32
    %cond3A = arith.constant 0 : i32
    %cond3A_2 = arith.cmpi ne, %convert_element_type3A, %cond3A : i32
    scf.if %cond3A_2 {
      %mul3A_23 = arith.constant 312 : i32
      %mul3A_24 = arith.muli %arg1, %mul3A_23 : i32
      "tpu.region"() ({
        %run_scoped3A = tpu.sem_alloc : memref<!tpu.dma_semaphore, #tpu.memory_space<semaphore_mem>>
        %dma_start3A = arith.constant 0 : i32
        %dma_start3A_25 = tpu.memref_slice %arg10[%mul3A_24, %dma_start3A] : memref<5000x128xf32, #tpu.memory_space<vmem_shared>> -> memref<312x128xf32, #tpu.memory_space<vmem_shared>>
        %dma_start3A_26 = arith.constant 0 : i32
        %dma_start3A_27 = tpu.memref_slice %arg5[%mul3A_24, %dma_start3A_26] : memref<10000x128xf32, #tpu.memory_space<hbm>> -> memref<312x128xf32, #tpu.memory_space<hbm>>
        tpu.enqueue_dma source(%dma_start3A_27 : memref<312x128xf32, #tpu.memory_space<hbm>>) target(%dma_start3A_25 : memref<312x128xf32, #tpu.memory_space<vmem_shared>>) target_semaphore(%run_scoped3A : memref<!tpu.dma_semaphore, #tpu.memory_space<semaphore_mem>>)
        %dma_wait3A = arith.constant 0 : i32
        %dma_wait3A_28 = tpu.memref_slice %arg10[%mul3A_24, %dma_wait3A] : memref<5000x128xf32, #tpu.memory_space<vmem_shared>> -> memref<312x128xf32, #tpu.memory_space<vmem_shared>>
        %dma_wait3A_29 = arith.constant 0 : i32
        %dma_wait3A_30 = tpu.memref_slice %arg5[%mul3A_24, %dma_wait3A_29] : memref<10000x128xf32, #tpu.memory_space<hbm>> -> memref<312x128xf32, #tpu.memory_space<hbm>>
        tpu.wait_dma2 semaphore(%run_scoped3A : memref<!tpu.dma_semaphore, #tpu.memory_space<semaphore_mem>>) src(%dma_wait3A_30 : memref<312x128xf32, #tpu.memory_space<hbm>>) dst(%dma_wait3A_28 : memref<312x128xf32, #tpu.memory_space<vmem_shared>>)
        tpu.yield
      }) : () -> ()
    } else {
    }
    %eq3A = arith.constant 15 : i32
    %eq3A_3 = arith.cmpi eq, %arg1, %eq3A : i32
    %convert_element_type3A_4 = arith.extui %eq3A_3 : i1 to i32
    %cond3A_5 = arith.constant 0 : i32
    %cond3A_6 = arith.cmpi ne, %convert_element_type3A_4, %cond3A_5 : i32
    scf.if %cond3A_6 {
      "tpu.region"() ({
        %run_scoped3A = tpu.sem_alloc : memref<!tpu.dma_semaphore, #tpu.memory_space<semaphore_mem>>
        %dma_start3A = arith.constant 4680 : i32
        %dma_start3A_23 = arith.constant 0 : i32
        %dma_start3A_24 = tpu.memref_slice %arg10[%dma_start3A, %dma_start3A_23] : memref<5000x128xf32, #tpu.memory_space<vmem_shared>> -> memref<320x128xf32, #tpu.memory_space<vmem_shared>>
        %dma_start3A_25 = arith.constant 4680 : i32
        %dma_start3A_26 = arith.constant 0 : i32
        %dma_start3A_27 = tpu.memref_slice %arg5[%dma_start3A_25, %dma_start3A_26] : memref<10000x128xf32, #tpu.memory_space<hbm>> -> memref<320x128xf32, #tpu.memory_space<hbm>>
        tpu.enqueue_dma source(%dma_start3A_27 : memref<320x128xf32, #tpu.memory_space<hbm>>) target(%dma_start3A_24 : memref<320x128xf32, #tpu.memory_space<vmem_shared>>) target_semaphore(%run_scoped3A : memref<!tpu.dma_semaphore, #tpu.memory_space<semaphore_mem>>)
        %dma_wait3A = arith.constant 4680 : i32
        %dma_wait3A_28 = arith.constant 0 : i32
        %dma_wait3A_29 = tpu.memref_slice %arg10[%dma_wait3A, %dma_wait3A_28] : memref<5000x128xf32, #tpu.memory_space<vmem_shared>> -> memref<320x128xf32, #tpu.memory_space<vmem_shared>>
        %dma_wait3A_30 = arith.constant 4680 : i32
        %dma_wait3A_31 = arith.constant 0 : i32
        %dma_wait3A_32 = tpu.memref_slice %arg5[%dma_wait3A_30, %dma_wait3A_31] : memref<10000x128xf32, #tpu.memory_space<hbm>> -> memref<320x128xf32, #tpu.memory_space<hbm>>
        tpu.wait_dma2 semaphore(%run_scoped3A : memref<!tpu.dma_semaphore, #tpu.memory_space<semaphore_mem>>) src(%dma_wait3A_32 : memref<320x128xf32, #tpu.memory_space<hbm>>) dst(%dma_wait3A_29 : memref<320x128xf32, #tpu.memory_space<vmem_shared>>)
        tpu.yield
      }) : () -> ()
    } else {
    }
    %barrier3A = arith.constant 0 : index
    tpu.barrier barrier_id(%barrier3A)
    %scan3A = arith.constant 0 : i64
    %scan3A_7 = arith.constant 0 : i32
    %scan3A_8 = arith.constant 125 : i32
    %scan3A_9 = arith.addi %scan3A_7, %scan3A_8 : i32
    %scan3A_10 = arith.constant 1 : i32
    scf.for %scan3A_23 = %scan3A_7 to %scan3A_9 step %scan3A_10  : i32 {
      %dma_start3A = arith.constant 0 : i32
      %dma_start3A_24 = tpu.memref_slice %arg7[%scan3A_23, %dma_start3A] : memref<125x80xi32, #tpu.memory_space<vmem>> -> memref<1x80xi32, #tpu.memory_space<vmem>>
      %dma_start3A_25 = tpu.memref_squeeze %dma_start3A_24 : memref<1x80xi32, #tpu.memory_space<vmem>> -> memref<80xi32, #tpu.memory_space<vmem>>
      %dma_start3A_26 = arith.constant 0 : i32
      %dma_start3A_27 = arith.constant 0 : i32
      %dma_start3A_28 = tpu.memref_slice %arg2[%dma_start3A_26, %dma_start3A_27] : memref<2500x128xf32, #tpu.memory_space<hbm>> -> memref<2500x128xf32, #tpu.memory_space<hbm>>
      tpu.enqueue_indirect_dma source(%dma_start3A_28 : memref<2500x128xf32, #tpu.memory_space<hbm>>) target(%arg9 : memref<80x128xf32, #tpu.memory_space<vmem>>) offsets(%dma_start3A_25 : memref<80xi32, #tpu.memory_space<vmem>>) semaphore(%arg11 : memref<!tpu.dma_semaphore, #tpu.memory_space<semaphore_mem>>)
      %dma_wait3A = arith.constant 0 : i32
      %dma_wait3A_29 = tpu.memref_slice %arg7[%scan3A_23, %dma_wait3A] : memref<125x80xi32, #tpu.memory_space<vmem>> -> memref<1x80xi32, #tpu.memory_space<vmem>>
      %dma_wait3A_30 = tpu.memref_squeeze %dma_wait3A_29 : memref<1x80xi32, #tpu.memory_space<vmem>> -> memref<80xi32, #tpu.memory_space<vmem>>
      %dma_wait3A_31 = arith.constant 0 : i32
      %dma_wait3A_32 = arith.constant 0 : i32
      %dma_wait3A_33 = tpu.memref_slice %arg2[%dma_wait3A_31, %dma_wait3A_32] : memref<2500x128xf32, #tpu.memory_space<hbm>> -> memref<2500x128xf32, #tpu.memory_space<hbm>>
      tpu.wait_indirect_dma semaphore(%arg11 : memref<!tpu.dma_semaphore, #tpu.memory_space<semaphore_mem>>) src(%dma_wait3A_33 : memref<2500x128xf32, #tpu.memory_space<hbm>>) dst(%arg9 : memref<80x128xf32, #tpu.memory_space<vmem>>)
      "tpu.region"() ({
        %run_scoped3A = tpu.sem_alloc : memref<!tpu.dma_semaphore, #tpu.memory_space<semaphore_mem>>
        %dma_start3A_34 = arith.constant 0 : i32
        %dma_start3A_35 = tpu.memref_slice %arg8[%scan3A_23, %dma_start3A_34] : memref<125x80xi32, #tpu.memory_space<vmem>> -> memref<1x80xi32, #tpu.memory_space<vmem>>
        %dma_start3A_36 = tpu.memref_squeeze %dma_start3A_35 : memref<1x80xi32, #tpu.memory_space<vmem>> -> memref<80xi32, #tpu.memory_space<vmem>>
        %dma_start3A_37 = arith.constant 0 : i32
        %dma_start3A_38 = arith.constant 0 : i32
        %dma_start3A_39 = tpu.memref_slice %arg10[%dma_start3A_37, %dma_start3A_38] : memref<5000x128xf32, #tpu.memory_space<vmem_shared>> -> memref<5000x128xf32, #tpu.memory_space<vmem_shared>>
        tpu.enqueue_indirect_dma source(%arg9 : memref<80x128xf32, #tpu.memory_space<vmem>>) target(%dma_start3A_39 : memref<5000x128xf32, #tpu.memory_space<vmem_shared>>) offsets(%dma_start3A_36 : memref<80xi32, #tpu.memory_space<vmem>>) semaphore(%run_scoped3A : memref<!tpu.dma_semaphore, #tpu.memory_space<semaphore_mem>>) {add = true}
        %dma_wait3A_40 = arith.constant 0 : i32
        %dma_wait3A_41 = tpu.memref_slice %arg8[%scan3A_23, %dma_wait3A_40] : memref<125x80xi32, #tpu.memory_space<vmem>> -> memref<1x80xi32, #tpu.memory_space<vmem>>
        %dma_wait3A_42 = tpu.memref_squeeze %dma_wait3A_41 : memref<1x80xi32, #tpu.memory_space<vmem>> -> memref<80xi32, #tpu.memory_space<vmem>>
        %dma_wait3A_43 = arith.constant 0 : i32
        %dma_wait3A_44 = arith.constant 0 : i32
        %dma_wait3A_45 = tpu.memref_slice %arg10[%dma_wait3A_43, %dma_wait3A_44] : memref<5000x128xf32, #tpu.memory_space<vmem_shared>> -> memref<5000x128xf32, #tpu.memory_space<vmem_shared>>
        tpu.wait_indirect_dma semaphore(%run_scoped3A : memref<!tpu.dma_semaphore, #tpu.memory_space<semaphore_mem>>) src(%arg9 : memref<80x128xf32, #tpu.memory_space<vmem>>) dst(%dma_wait3A_45 : memref<5000x128xf32, #tpu.memory_space<vmem_shared>>)
        tpu.yield
      }) : () -> ()
    }
    %scan3A_11 = arith.constant 125 : i32
    %barrier3A_12 = arith.constant 0 : index
    tpu.barrier barrier_id(%barrier3A_12)
    %lt3A_13 = arith.constant 15 : i32
    %lt3A_14 = arith.cmpi slt, %arg1, %lt3A_13 : i32
    %convert_element_type3A_15 = arith.extui %lt3A_14 : i1 to i32
    %cond3A_16 = arith.constant 0 : i32
    %cond3A_17 = arith.cmpi ne, %convert_element_type3A_15, %cond3A_16 : i32
    scf.if %cond3A_17 {
      %mul3A_23 = arith.constant 312 : i32
      %mul3A_24 = arith.muli %arg1, %mul3A_23 : i32
      "tpu.region"() ({
        %run_scoped3A = tpu.sem_alloc : memref<!tpu.dma_semaphore, #tpu.memory_space<semaphore_mem>>
        %dma_start3A = arith.constant 0 : i32
        %dma_start3A_25 = tpu.memref_slice %arg6[%arg0, %mul3A_24, %dma_start3A] : memref<2x5000x128xf32, #tpu.memory_space<hbm>> -> memref<1x312x128xf32, #tpu.memory_space<hbm>>
        %dma_start3A_26 = tpu.memref_squeeze %dma_start3A_25 : memref<1x312x128xf32, #tpu.memory_space<hbm>> -> memref<312x128xf32, #tpu.memory_space<hbm>>
        %dma_start3A_27 = arith.constant 0 : i32
        %dma_start3A_28 = tpu.memref_slice %arg10[%mul3A_24, %dma_start3A_27] : memref<5000x128xf32, #tpu.memory_space<vmem_shared>> -> memref<312x128xf32, #tpu.memory_space<vmem_shared>>
        tpu.enqueue_dma source(%dma_start3A_28 : memref<312x128xf32, #tpu.memory_space<vmem_shared>>) target(%dma_start3A_26 : memref<312x128xf32, #tpu.memory_space<hbm>>) target_semaphore(%run_scoped3A : memref<!tpu.dma_semaphore, #tpu.memory_space<semaphore_mem>>)
        %dma_wait3A = arith.constant 0 : i32
        %dma_wait3A_29 = tpu.memref_slice %arg6[%arg0, %mul3A_24, %dma_wait3A] : memref<2x5000x128xf32, #tpu.memory_space<hbm>> -> memref<1x312x128xf32, #tpu.memory_space<hbm>>
        %dma_wait3A_30 = tpu.memref_squeeze %dma_wait3A_29 : memref<1x312x128xf32, #tpu.memory_space<hbm>> -> memref<312x128xf32, #tpu.memory_space<hbm>>
        %dma_wait3A_31 = arith.constant 0 : i32
        %dma_wait3A_32 = tpu.memref_slice %arg10[%mul3A_24, %dma_wait3A_31] : memref<5000x128xf32, #tpu.memory_space<vmem_shared>> -> memref<312x128xf32, #tpu.memory_space<vmem_shared>>
        tpu.wait_dma2 semaphore(%run_scoped3A : memref<!tpu.dma_semaphore, #tpu.memory_space<semaphore_mem>>) src(%dma_wait3A_32 : memref<312x128xf32, #tpu.memory_space<vmem_shared>>) dst(%dma_wait3A_30 : memref<312x128xf32, #tpu.memory_space<hbm>>)
        tpu.yield
      }) : () -> ()
    } else {
    }
    %eq3A_18 = arith.constant 15 : i32
    %eq3A_19 = arith.cmpi eq, %arg1, %eq3A_18 : i32
    %convert_element_type3A_20 = arith.extui %eq3A_19 : i1 to i32
    %cond3A_21 = arith.constant 0 : i32
    %cond3A_22 = arith.cmpi ne, %convert_element_type3A_20, %cond3A_21 : i32
    scf.if %cond3A_22 {
      "tpu.region"() ({
        %run_scoped3A = tpu.sem_alloc : memref<!tpu.dma_semaphore, #tpu.memory_space<semaphore_mem>>
        %dma_start3A = arith.constant 4680 : i32
        %dma_start3A_23 = arith.constant 0 : i32
        %dma_start3A_24 = tpu.memref_slice %arg6[%arg0, %dma_start3A, %dma_start3A_23] : memref<2x5000x128xf32, #tpu.memory_space<hbm>> -> memref<1x320x128xf32, #tpu.memory_space<hbm>>
        %dma_start3A_25 = tpu.memref_squeeze %dma_start3A_24 : memref<1x320x128xf32, #tpu.memory_space<hbm>> -> memref<320x128xf32, #tpu.memory_space<hbm>>
        %dma_start3A_26 = arith.constant 4680 : i32
        %dma_start3A_27 = arith.constant 0 : i32
        %dma_start3A_28 = tpu.memref_slice %arg10[%dma_start3A_26, %dma_start3A_27] : memref<5000x128xf32, #tpu.memory_space<vmem_shared>> -> memref<320x128xf32, #tpu.memory_space<vmem_shared>>
        tpu.enqueue_dma source(%dma_start3A_28 : memref<320x128xf32, #tpu.memory_space<vmem_shared>>) target(%dma_start3A_25 : memref<320x128xf32, #tpu.memory_space<hbm>>) target_semaphore(%run_scoped3A : memref<!tpu.dma_semaphore, #tpu.memory_space<semaphore_mem>>)
        %dma_wait3A = arith.constant 4680 : i32
        %dma_wait3A_29 = arith.constant 0 : i32
        %dma_wait3A_30 = tpu.memref_slice %arg6[%arg0, %dma_wait3A, %dma_wait3A_29] : memref<2x5000x128xf32, #tpu.memory_space<hbm>> -> memref<1x320x128xf32, #tpu.memory_space<hbm>>
        %dma_wait3A_31 = tpu.memref_squeeze %dma_wait3A_30 : memref<1x320x128xf32, #tpu.memory_space<hbm>> -> memref<320x128xf32, #tpu.memory_space<hbm>>
        %dma_wait3A_32 = arith.constant 4680 : i32
        %dma_wait3A_33 = arith.constant 0 : i32
        %dma_wait3A_34 = tpu.memref_slice %arg10[%dma_wait3A_32, %dma_wait3A_33] : memref<5000x128xf32, #tpu.memory_space<vmem_shared>> -> memref<320x128xf32, #tpu.memory_space<vmem_shared>>
        tpu.wait_dma2 semaphore(%run_scoped3A : memref<!tpu.dma_semaphore, #tpu.memory_space<semaphore_mem>>) src(%dma_wait3A_34 : memref<320x128xf32, #tpu.memory_space<vmem_shared>>) dst(%dma_wait3A_31 : memref<320x128xf32, #tpu.memory_space<hbm>>)
        tpu.yield
      }) : () -> ()
    } else {
    }
    return
  }
}

#map = affine_map<(d0, d1) -> (0, 0)>
#map1 = affine_map<(d0, d1) -> (0, 0, 0)>
module attributes {stable_mosaic.version = 14 : i64} {
  func.func @body(%arg0: i32, %arg1: i32, %arg2: memref<5000x128xf32, #tpu.memory_space<hbm>>, %arg3: memref<32x125x80xi32, #tpu.memory_space<hbm>>, %arg4: memref<32x125x80xi32, #tpu.memory_space<hbm>>, %arg5: memref<10000x128xf32, #tpu.memory_space<hbm>>, %arg6: memref<2x10000x128xf32, #tpu.memory_space<hbm>>, %arg7: memref<125x80xi32, #tpu.memory_space<vmem>>, %arg8: memref<125x80xi32, #tpu.memory_space<vmem>>, %arg9: memref<80x128xf32, #tpu.memory_space<vmem>>, %arg10: memref<10000x128xf32, #tpu.memory_space<vmem_shared>>, %arg11: memref<!tpu.dma_semaphore, #tpu.memory_space<semaphore_mem>>) attributes {dimension_semantics = [#tpu.dimension_semantics<core_parallel>, #tpu.dimension_semantics<subcore_parallel>], iteration_bounds = array<i64: 2, 16>, scalar_prefetch = 0 : i64, scratch_operands = 5 : i64, tpu.core_type = #tpu.core_type<sc_vector_subcore>, window_params = [{transform_indices = #map}, {transform_indices = #map1}, {transform_indices = #map1}, {transform_indices = #map}, {transform_indices = #map1}]} {
    %mul3A = arith.constant 16 : i32
    %mul3A_0 = arith.muli %arg0, %mul3A : i32
    %add3A = arith.addi %mul3A_0, %arg1 : i32
    "tpu.region"() ({
      %run_scoped3A = tpu.sem_alloc : memref<!tpu.dma_semaphore, #tpu.memory_space<semaphore_mem>>
      %dma_start3A = arith.constant 0 : i32
      %dma_start3A_23 = arith.constant 0 : i32
      %dma_start3A_24 = tpu.memref_slice %arg3[%add3A, %dma_start3A, %dma_start3A_23] : memref<32x125x80xi32, #tpu.memory_space<hbm>> -> memref<1x125x80xi32, #tpu.memory_space<hbm>>
      %dma_start3A_25 = tpu.memref_squeeze %dma_start3A_24 : memref<1x125x80xi32, #tpu.memory_space<hbm>> -> memref<125x80xi32, #tpu.memory_space<hbm>>
      %dma_start3A_26 = arith.constant 0 : i32
      %dma_start3A_27 = arith.constant 0 : i32
      %dma_start3A_28 = tpu.memref_slice %arg3[%add3A, %dma_start3A_26, %dma_start3A_27] : memref<32x125x80xi32, #tpu.memory_space<hbm>> -> memref<1x125x80xi32, #tpu.memory_space<hbm>>
      %dma_start3A_29 = tpu.memref_squeeze %dma_start3A_28 : memref<1x125x80xi32, #tpu.memory_space<hbm>> -> memref<125x80xi32, #tpu.memory_space<hbm>>
      tpu.enqueue_dma source(%dma_start3A_29 : memref<125x80xi32, #tpu.memory_space<hbm>>) target(%arg7 : memref<125x80xi32, #tpu.memory_space<vmem>>) target_semaphore(%run_scoped3A : memref<!tpu.dma_semaphore, #tpu.memory_space<semaphore_mem>>)
      %dma_wait3A = arith.constant 0 : i32
      %dma_wait3A_30 = arith.constant 0 : i32
      %dma_wait3A_31 = tpu.memref_slice %arg3[%add3A, %dma_wait3A, %dma_wait3A_30] : memref<32x125x80xi32, #tpu.memory_space<hbm>> -> memref<1x125x80xi32, #tpu.memory_space<hbm>>
      %dma_wait3A_32 = tpu.memref_squeeze %dma_wait3A_31 : memref<1x125x80xi32, #tpu.memory_space<hbm>> -> memref<125x80xi32, #tpu.memory_space<hbm>>
      %dma_wait3A_33 = arith.constant 0 : i32
      %dma_wait3A_34 = arith.constant 0 : i32
      %dma_wait3A_35 = tpu.memref_slice %arg3[%add3A, %dma_wait3A_33, %dma_wait3A_34] : memref<32x125x80xi32, #tpu.memory_space<hbm>> -> memref<1x125x80xi32, #tpu.memory_space<hbm>>
      %dma_wait3A_36 = tpu.memref_squeeze %dma_wait3A_35 : memref<1x125x80xi32, #tpu.memory_space<hbm>> -> memref<125x80xi32, #tpu.memory_space<hbm>>
      tpu.wait_dma2 semaphore(%run_scoped3A : memref<!tpu.dma_semaphore, #tpu.memory_space<semaphore_mem>>) src(%dma_wait3A_36 : memref<125x80xi32, #tpu.memory_space<hbm>>) dst(%arg7 : memref<125x80xi32, #tpu.memory_space<vmem>>)
      tpu.yield
    }) : () -> ()
    "tpu.region"() ({
      %run_scoped3A = tpu.sem_alloc : memref<!tpu.dma_semaphore, #tpu.memory_space<semaphore_mem>>
      %dma_start3A = arith.constant 0 : i32
      %dma_start3A_23 = arith.constant 0 : i32
      %dma_start3A_24 = tpu.memref_slice %arg4[%add3A, %dma_start3A, %dma_start3A_23] : memref<32x125x80xi32, #tpu.memory_space<hbm>> -> memref<1x125x80xi32, #tpu.memory_space<hbm>>
      %dma_start3A_25 = tpu.memref_squeeze %dma_start3A_24 : memref<1x125x80xi32, #tpu.memory_space<hbm>> -> memref<125x80xi32, #tpu.memory_space<hbm>>
      %dma_start3A_26 = arith.constant 0 : i32
      %dma_start3A_27 = arith.constant 0 : i32
      %dma_start3A_28 = tpu.memref_slice %arg4[%add3A, %dma_start3A_26, %dma_start3A_27] : memref<32x125x80xi32, #tpu.memory_space<hbm>> -> memref<1x125x80xi32, #tpu.memory_space<hbm>>
      %dma_start3A_29 = tpu.memref_squeeze %dma_start3A_28 : memref<1x125x80xi32, #tpu.memory_space<hbm>> -> memref<125x80xi32, #tpu.memory_space<hbm>>
      tpu.enqueue_dma source(%dma_start3A_29 : memref<125x80xi32, #tpu.memory_space<hbm>>) target(%arg8 : memref<125x80xi32, #tpu.memory_space<vmem>>) target_semaphore(%run_scoped3A : memref<!tpu.dma_semaphore, #tpu.memory_space<semaphore_mem>>)
      %dma_wait3A = arith.constant 0 : i32
      %dma_wait3A_30 = arith.constant 0 : i32
      %dma_wait3A_31 = tpu.memref_slice %arg4[%add3A, %dma_wait3A, %dma_wait3A_30] : memref<32x125x80xi32, #tpu.memory_space<hbm>> -> memref<1x125x80xi32, #tpu.memory_space<hbm>>
      %dma_wait3A_32 = tpu.memref_squeeze %dma_wait3A_31 : memref<1x125x80xi32, #tpu.memory_space<hbm>> -> memref<125x80xi32, #tpu.memory_space<hbm>>
      %dma_wait3A_33 = arith.constant 0 : i32
      %dma_wait3A_34 = arith.constant 0 : i32
      %dma_wait3A_35 = tpu.memref_slice %arg4[%add3A, %dma_wait3A_33, %dma_wait3A_34] : memref<32x125x80xi32, #tpu.memory_space<hbm>> -> memref<1x125x80xi32, #tpu.memory_space<hbm>>
      %dma_wait3A_36 = tpu.memref_squeeze %dma_wait3A_35 : memref<1x125x80xi32, #tpu.memory_space<hbm>> -> memref<125x80xi32, #tpu.memory_space<hbm>>
      tpu.wait_dma2 semaphore(%run_scoped3A : memref<!tpu.dma_semaphore, #tpu.memory_space<semaphore_mem>>) src(%dma_wait3A_36 : memref<125x80xi32, #tpu.memory_space<hbm>>) dst(%arg8 : memref<125x80xi32, #tpu.memory_space<vmem>>)
      tpu.yield
    }) : () -> ()
    %lt3A = arith.constant 15 : i32
    %lt3A_1 = arith.cmpi slt, %arg1, %lt3A : i32
    %convert_element_type3A = arith.extui %lt3A_1 : i1 to i32
    %cond3A = arith.constant 0 : i32
    %cond3A_2 = arith.cmpi ne, %convert_element_type3A, %cond3A : i32
    scf.if %cond3A_2 {
      %mul3A_23 = arith.constant 624 : i32
      %mul3A_24 = arith.muli %arg1, %mul3A_23 : i32
      "tpu.region"() ({
        %run_scoped3A = tpu.sem_alloc : memref<!tpu.dma_semaphore, #tpu.memory_space<semaphore_mem>>
        %dma_start3A = arith.constant 0 : i32
        %dma_start3A_25 = tpu.memref_slice %arg10[%mul3A_24, %dma_start3A] : memref<10000x128xf32, #tpu.memory_space<vmem_shared>> -> memref<624x128xf32, #tpu.memory_space<vmem_shared>>
        %dma_start3A_26 = arith.constant 0 : i32
        %dma_start3A_27 = tpu.memref_slice %arg5[%mul3A_24, %dma_start3A_26] : memref<10000x128xf32, #tpu.memory_space<hbm>> -> memref<624x128xf32, #tpu.memory_space<hbm>>
        tpu.enqueue_dma source(%dma_start3A_27 : memref<624x128xf32, #tpu.memory_space<hbm>>) target(%dma_start3A_25 : memref<624x128xf32, #tpu.memory_space<vmem_shared>>) target_semaphore(%run_scoped3A : memref<!tpu.dma_semaphore, #tpu.memory_space<semaphore_mem>>)
        %dma_wait3A = arith.constant 0 : i32
        %dma_wait3A_28 = tpu.memref_slice %arg10[%mul3A_24, %dma_wait3A] : memref<10000x128xf32, #tpu.memory_space<vmem_shared>> -> memref<624x128xf32, #tpu.memory_space<vmem_shared>>
        %dma_wait3A_29 = arith.constant 0 : i32
        %dma_wait3A_30 = tpu.memref_slice %arg5[%mul3A_24, %dma_wait3A_29] : memref<10000x128xf32, #tpu.memory_space<hbm>> -> memref<624x128xf32, #tpu.memory_space<hbm>>
        tpu.wait_dma2 semaphore(%run_scoped3A : memref<!tpu.dma_semaphore, #tpu.memory_space<semaphore_mem>>) src(%dma_wait3A_30 : memref<624x128xf32, #tpu.memory_space<hbm>>) dst(%dma_wait3A_28 : memref<624x128xf32, #tpu.memory_space<vmem_shared>>)
        tpu.yield
      }) : () -> ()
    } else {
    }
    %eq3A = arith.constant 15 : i32
    %eq3A_3 = arith.cmpi eq, %arg1, %eq3A : i32
    %convert_element_type3A_4 = arith.extui %eq3A_3 : i1 to i32
    %cond3A_5 = arith.constant 0 : i32
    %cond3A_6 = arith.cmpi ne, %convert_element_type3A_4, %cond3A_5 : i32
    scf.if %cond3A_6 {
      "tpu.region"() ({
        %run_scoped3A = tpu.sem_alloc : memref<!tpu.dma_semaphore, #tpu.memory_space<semaphore_mem>>
        %dma_start3A = arith.constant 9360 : i32
        %dma_start3A_23 = arith.constant 0 : i32
        %dma_start3A_24 = tpu.memref_slice %arg10[%dma_start3A, %dma_start3A_23] : memref<10000x128xf32, #tpu.memory_space<vmem_shared>> -> memref<640x128xf32, #tpu.memory_space<vmem_shared>>
        %dma_start3A_25 = arith.constant 9360 : i32
        %dma_start3A_26 = arith.constant 0 : i32
        %dma_start3A_27 = tpu.memref_slice %arg5[%dma_start3A_25, %dma_start3A_26] : memref<10000x128xf32, #tpu.memory_space<hbm>> -> memref<640x128xf32, #tpu.memory_space<hbm>>
        tpu.enqueue_dma source(%dma_start3A_27 : memref<640x128xf32, #tpu.memory_space<hbm>>) target(%dma_start3A_24 : memref<640x128xf32, #tpu.memory_space<vmem_shared>>) target_semaphore(%run_scoped3A : memref<!tpu.dma_semaphore, #tpu.memory_space<semaphore_mem>>)
        %dma_wait3A = arith.constant 9360 : i32
        %dma_wait3A_28 = arith.constant 0 : i32
        %dma_wait3A_29 = tpu.memref_slice %arg10[%dma_wait3A, %dma_wait3A_28] : memref<10000x128xf32, #tpu.memory_space<vmem_shared>> -> memref<640x128xf32, #tpu.memory_space<vmem_shared>>
        %dma_wait3A_30 = arith.constant 9360 : i32
        %dma_wait3A_31 = arith.constant 0 : i32
        %dma_wait3A_32 = tpu.memref_slice %arg5[%dma_wait3A_30, %dma_wait3A_31] : memref<10000x128xf32, #tpu.memory_space<hbm>> -> memref<640x128xf32, #tpu.memory_space<hbm>>
        tpu.wait_dma2 semaphore(%run_scoped3A : memref<!tpu.dma_semaphore, #tpu.memory_space<semaphore_mem>>) src(%dma_wait3A_32 : memref<640x128xf32, #tpu.memory_space<hbm>>) dst(%dma_wait3A_29 : memref<640x128xf32, #tpu.memory_space<vmem_shared>>)
        tpu.yield
      }) : () -> ()
    } else {
    }
    %barrier3A = arith.constant 0 : index
    tpu.barrier barrier_id(%barrier3A)
    %scan3A = arith.constant 0 : i64
    %scan3A_7 = arith.constant 0 : i32
    %scan3A_8 = arith.constant 125 : i32
    %scan3A_9 = arith.addi %scan3A_7, %scan3A_8 : i32
    %scan3A_10 = arith.constant 1 : i32
    scf.for %scan3A_23 = %scan3A_7 to %scan3A_9 step %scan3A_10  : i32 {
      %dma_start3A = arith.constant 0 : i32
      %dma_start3A_24 = tpu.memref_slice %arg7[%scan3A_23, %dma_start3A] : memref<125x80xi32, #tpu.memory_space<vmem>> -> memref<1x80xi32, #tpu.memory_space<vmem>>
      %dma_start3A_25 = tpu.memref_squeeze %dma_start3A_24 : memref<1x80xi32, #tpu.memory_space<vmem>> -> memref<80xi32, #tpu.memory_space<vmem>>
      %dma_start3A_26 = arith.constant 0 : i32
      %dma_start3A_27 = arith.constant 0 : i32
      %dma_start3A_28 = tpu.memref_slice %arg2[%dma_start3A_26, %dma_start3A_27] : memref<5000x128xf32, #tpu.memory_space<hbm>> -> memref<5000x128xf32, #tpu.memory_space<hbm>>
      tpu.enqueue_indirect_dma source(%dma_start3A_28 : memref<5000x128xf32, #tpu.memory_space<hbm>>) target(%arg9 : memref<80x128xf32, #tpu.memory_space<vmem>>) offsets(%dma_start3A_25 : memref<80xi32, #tpu.memory_space<vmem>>) semaphore(%arg11 : memref<!tpu.dma_semaphore, #tpu.memory_space<semaphore_mem>>)
      %dma_wait3A = arith.constant 0 : i32
      %dma_wait3A_29 = tpu.memref_slice %arg7[%scan3A_23, %dma_wait3A] : memref<125x80xi32, #tpu.memory_space<vmem>> -> memref<1x80xi32, #tpu.memory_space<vmem>>
      %dma_wait3A_30 = tpu.memref_squeeze %dma_wait3A_29 : memref<1x80xi32, #tpu.memory_space<vmem>> -> memref<80xi32, #tpu.memory_space<vmem>>
      %dma_wait3A_31 = arith.constant 0 : i32
      %dma_wait3A_32 = arith.constant 0 : i32
      %dma_wait3A_33 = tpu.memref_slice %arg2[%dma_wait3A_31, %dma_wait3A_32] : memref<5000x128xf32, #tpu.memory_space<hbm>> -> memref<5000x128xf32, #tpu.memory_space<hbm>>
      tpu.wait_indirect_dma semaphore(%arg11 : memref<!tpu.dma_semaphore, #tpu.memory_space<semaphore_mem>>) src(%dma_wait3A_33 : memref<5000x128xf32, #tpu.memory_space<hbm>>) dst(%arg9 : memref<80x128xf32, #tpu.memory_space<vmem>>)
      "tpu.region"() ({
        %run_scoped3A = tpu.sem_alloc : memref<!tpu.dma_semaphore, #tpu.memory_space<semaphore_mem>>
        %dma_start3A_34 = arith.constant 0 : i32
        %dma_start3A_35 = tpu.memref_slice %arg8[%scan3A_23, %dma_start3A_34] : memref<125x80xi32, #tpu.memory_space<vmem>> -> memref<1x80xi32, #tpu.memory_space<vmem>>
        %dma_start3A_36 = tpu.memref_squeeze %dma_start3A_35 : memref<1x80xi32, #tpu.memory_space<vmem>> -> memref<80xi32, #tpu.memory_space<vmem>>
        %dma_start3A_37 = arith.constant 0 : i32
        %dma_start3A_38 = arith.constant 0 : i32
        %dma_start3A_39 = tpu.memref_slice %arg10[%dma_start3A_37, %dma_start3A_38] : memref<10000x128xf32, #tpu.memory_space<vmem_shared>> -> memref<10000x128xf32, #tpu.memory_space<vmem_shared>>
        tpu.enqueue_indirect_dma source(%arg9 : memref<80x128xf32, #tpu.memory_space<vmem>>) target(%dma_start3A_39 : memref<10000x128xf32, #tpu.memory_space<vmem_shared>>) offsets(%dma_start3A_36 : memref<80xi32, #tpu.memory_space<vmem>>) semaphore(%run_scoped3A : memref<!tpu.dma_semaphore, #tpu.memory_space<semaphore_mem>>) {add = true}
        %dma_wait3A_40 = arith.constant 0 : i32
        %dma_wait3A_41 = tpu.memref_slice %arg8[%scan3A_23, %dma_wait3A_40] : memref<125x80xi32, #tpu.memory_space<vmem>> -> memref<1x80xi32, #tpu.memory_space<vmem>>
        %dma_wait3A_42 = tpu.memref_squeeze %dma_wait3A_41 : memref<1x80xi32, #tpu.memory_space<vmem>> -> memref<80xi32, #tpu.memory_space<vmem>>
        %dma_wait3A_43 = arith.constant 0 : i32
        %dma_wait3A_44 = arith.constant 0 : i32
        %dma_wait3A_45 = tpu.memref_slice %arg10[%dma_wait3A_43, %dma_wait3A_44] : memref<10000x128xf32, #tpu.memory_space<vmem_shared>> -> memref<10000x128xf32, #tpu.memory_space<vmem_shared>>
        tpu.wait_indirect_dma semaphore(%run_scoped3A : memref<!tpu.dma_semaphore, #tpu.memory_space<semaphore_mem>>) src(%arg9 : memref<80x128xf32, #tpu.memory_space<vmem>>) dst(%dma_wait3A_45 : memref<10000x128xf32, #tpu.memory_space<vmem_shared>>)
        tpu.yield
      }) : () -> ()
    }
    %scan3A_11 = arith.constant 125 : i32
    %barrier3A_12 = arith.constant 0 : index
    tpu.barrier barrier_id(%barrier3A_12)
    %lt3A_13 = arith.constant 15 : i32
    %lt3A_14 = arith.cmpi slt, %arg1, %lt3A_13 : i32
    %convert_element_type3A_15 = arith.extui %lt3A_14 : i1 to i32
    %cond3A_16 = arith.constant 0 : i32
    %cond3A_17 = arith.cmpi ne, %convert_element_type3A_15, %cond3A_16 : i32
    scf.if %cond3A_17 {
      %mul3A_23 = arith.constant 624 : i32
      %mul3A_24 = arith.muli %arg1, %mul3A_23 : i32
      "tpu.region"() ({
        %run_scoped3A = tpu.sem_alloc : memref<!tpu.dma_semaphore, #tpu.memory_space<semaphore_mem>>
        %dma_start3A = arith.constant 0 : i32
        %dma_start3A_25 = tpu.memref_slice %arg6[%arg0, %mul3A_24, %dma_start3A] : memref<2x10000x128xf32, #tpu.memory_space<hbm>> -> memref<1x624x128xf32, #tpu.memory_space<hbm>>
        %dma_start3A_26 = tpu.memref_squeeze %dma_start3A_25 : memref<1x624x128xf32, #tpu.memory_space<hbm>> -> memref<624x128xf32, #tpu.memory_space<hbm>>
        %dma_start3A_27 = arith.constant 0 : i32
        %dma_start3A_28 = tpu.memref_slice %arg10[%mul3A_24, %dma_start3A_27] : memref<10000x128xf32, #tpu.memory_space<vmem_shared>> -> memref<624x128xf32, #tpu.memory_space<vmem_shared>>
        tpu.enqueue_dma source(%dma_start3A_28 : memref<624x128xf32, #tpu.memory_space<vmem_shared>>) target(%dma_start3A_26 : memref<624x128xf32, #tpu.memory_space<hbm>>) target_semaphore(%run_scoped3A : memref<!tpu.dma_semaphore, #tpu.memory_space<semaphore_mem>>)
        %dma_wait3A = arith.constant 0 : i32
        %dma_wait3A_29 = tpu.memref_slice %arg6[%arg0, %mul3A_24, %dma_wait3A] : memref<2x10000x128xf32, #tpu.memory_space<hbm>> -> memref<1x624x128xf32, #tpu.memory_space<hbm>>
        %dma_wait3A_30 = tpu.memref_squeeze %dma_wait3A_29 : memref<1x624x128xf32, #tpu.memory_space<hbm>> -> memref<624x128xf32, #tpu.memory_space<hbm>>
        %dma_wait3A_31 = arith.constant 0 : i32
        %dma_wait3A_32 = tpu.memref_slice %arg10[%mul3A_24, %dma_wait3A_31] : memref<10000x128xf32, #tpu.memory_space<vmem_shared>> -> memref<624x128xf32, #tpu.memory_space<vmem_shared>>
        tpu.wait_dma2 semaphore(%run_scoped3A : memref<!tpu.dma_semaphore, #tpu.memory_space<semaphore_mem>>) src(%dma_wait3A_32 : memref<624x128xf32, #tpu.memory_space<vmem_shared>>) dst(%dma_wait3A_30 : memref<624x128xf32, #tpu.memory_space<hbm>>)
        tpu.yield
      }) : () -> ()
    } else {
    }
    %eq3A_18 = arith.constant 15 : i32
    %eq3A_19 = arith.cmpi eq, %arg1, %eq3A_18 : i32
    %convert_element_type3A_20 = arith.extui %eq3A_19 : i1 to i32
    %cond3A_21 = arith.constant 0 : i32
    %cond3A_22 = arith.cmpi ne, %convert_element_type3A_20, %cond3A_21 : i32
    scf.if %cond3A_22 {
      "tpu.region"() ({
        %run_scoped3A = tpu.sem_alloc : memref<!tpu.dma_semaphore, #tpu.memory_space<semaphore_mem>>
        %dma_start3A = arith.constant 9360 : i32
        %dma_start3A_23 = arith.constant 0 : i32
        %dma_start3A_24 = tpu.memref_slice %arg6[%arg0, %dma_start3A, %dma_start3A_23] : memref<2x10000x128xf32, #tpu.memory_space<hbm>> -> memref<1x640x128xf32, #tpu.memory_space<hbm>>
        %dma_start3A_25 = tpu.memref_squeeze %dma_start3A_24 : memref<1x640x128xf32, #tpu.memory_space<hbm>> -> memref<640x128xf32, #tpu.memory_space<hbm>>
        %dma_start3A_26 = arith.constant 9360 : i32
        %dma_start3A_27 = arith.constant 0 : i32
        %dma_start3A_28 = tpu.memref_slice %arg10[%dma_start3A_26, %dma_start3A_27] : memref<10000x128xf32, #tpu.memory_space<vmem_shared>> -> memref<640x128xf32, #tpu.memory_space<vmem_shared>>
        tpu.enqueue_dma source(%dma_start3A_28 : memref<640x128xf32, #tpu.memory_space<vmem_shared>>) target(%dma_start3A_25 : memref<640x128xf32, #tpu.memory_space<hbm>>) target_semaphore(%run_scoped3A : memref<!tpu.dma_semaphore, #tpu.memory_space<semaphore_mem>>)
        %dma_wait3A = arith.constant 9360 : i32
        %dma_wait3A_29 = arith.constant 0 : i32
        %dma_wait3A_30 = tpu.memref_slice %arg6[%arg0, %dma_wait3A, %dma_wait3A_29] : memref<2x10000x128xf32, #tpu.memory_space<hbm>> -> memref<1x640x128xf32, #tpu.memory_space<hbm>>
        %dma_wait3A_31 = tpu.memref_squeeze %dma_wait3A_30 : memref<1x640x128xf32, #tpu.memory_space<hbm>> -> memref<640x128xf32, #tpu.memory_space<hbm>>
        %dma_wait3A_32 = arith.constant 9360 : i32
        %dma_wait3A_33 = arith.constant 0 : i32
        %dma_wait3A_34 = tpu.memref_slice %arg10[%dma_wait3A_32, %dma_wait3A_33] : memref<10000x128xf32, #tpu.memory_space<vmem_shared>> -> memref<640x128xf32, #tpu.memory_space<vmem_shared>>
        tpu.wait_dma2 semaphore(%run_scoped3A : memref<!tpu.dma_semaphore, #tpu.memory_space<semaphore_mem>>) src(%dma_wait3A_34 : memref<640x128xf32, #tpu.memory_space<vmem_shared>>) dst(%dma_wait3A_31 : memref<640x128xf32, #tpu.memory_space<hbm>>)
        tpu.yield
      }) : () -> ()
    } else {
    }
    return
  }
}

module attributes {stable_mosaic.version = 14 : i64} {
  func.func @_conv_pool_body(%arg0: memref<10000x128xf32, #tpu.memory_space<vmem>>, %arg1: memref<10000x128xf32, #tpu.memory_space<vmem>>, %arg2: memref<10000x128xf32, #tpu.memory_space<vmem>>, %arg3: memref<128x128xf32, #tpu.memory_space<vmem>>, %arg4: memref<128x128xf32, #tpu.memory_space<vmem>>, %arg5: memref<1x128xf32, #tpu.memory_space<vmem>>, %arg6: memref<5000x128xf32, #tpu.memory_space<vmem>>) attributes {dimension_semantics = [], scalar_prefetch = 0 : i64, scratch_operands = 0 : i64, tpu.core_type = #tpu.core_type<tc>} {
    %get3A = arith.constant 0 : index
    %get3A_0 = arith.constant 0 : index
    %get3A_1 = vector.load %arg0[%get3A, %get3A_0] : memref<10000x128xf32, #tpu.memory_space<vmem>>, vector<10000x128xf32>
    %get3A_2 = arith.constant 0 : index
    %get3A_3 = arith.constant 0 : index
    %get3A_4 = vector.load %arg3[%get3A_2, %get3A_3] : memref<128x128xf32, #tpu.memory_space<vmem>>, vector<128x128xf32>
    %dot_general3A = arith.constant dense<0.000000e+00> : vector<10000x128xf32>
    %dot_general3A_5 = tpu.matmul %get3A_1, %get3A_4, %dot_general3A {dimension_numbers = #tpu.dot_dimension_numbers<[1], [0], [0], [1], [0, 0, 1, 1], [], []>, transpose_lhs_hint = false} : vector<10000x128xf32>, vector<128x128xf32>, vector<10000x128xf32> -> vector<10000x128xf32>
    %get3A_6 = arith.constant 0 : index
    %get3A_7 = arith.constant 0 : index
    %get3A_8 = vector.load %arg1[%get3A_6, %get3A_7] : memref<10000x128xf32, #tpu.memory_space<vmem>>, vector<10000x128xf32>
    %get3A_9 = arith.constant 0 : index
    %get3A_10 = arith.constant 0 : index
    %get3A_11 = vector.load %arg2[%get3A_9, %get3A_10] : memref<10000x128xf32, #tpu.memory_space<vmem>>, vector<10000x128xf32>
    %add3A = arith.addf %get3A_8, %get3A_11 : vector<10000x128xf32>
    %get3A_12 = arith.constant 0 : index
    %get3A_13 = arith.constant 0 : index
    %get3A_14 = vector.load %arg4[%get3A_12, %get3A_13] : memref<128x128xf32, #tpu.memory_space<vmem>>, vector<128x128xf32>
    %dot_general3A_15 = arith.constant dense<0.000000e+00> : vector<10000x128xf32>
    %dot_general3A_16 = tpu.matmul %add3A, %get3A_14, %dot_general3A_15 {dimension_numbers = #tpu.dot_dimension_numbers<[1], [0], [0], [1], [0, 0, 1, 1], [], []>, transpose_lhs_hint = false} : vector<10000x128xf32>, vector<128x128xf32>, vector<10000x128xf32> -> vector<10000x128xf32>
    %add3A_17 = arith.addf %dot_general3A_5, %dot_general3A_16 : vector<10000x128xf32>
    %get3A_18 = arith.constant 0 : index
    %get3A_19 = arith.constant 0 : index
    %get3A_20 = vector.load %arg5[%get3A_18, %get3A_19] : memref<1x128xf32, #tpu.memory_space<vmem>>, vector<1x128xf32>
    %add3A_21 = vector.broadcast %get3A_20 : vector<1x128xf32> to vector<10000x128xf32>
    %add3A_22 = arith.addf %add3A_17, %add3A_21 : vector<10000x128xf32>
    %max3A = arith.constant 0.000000e+00 : f32
    %max3A_23 = vector.broadcast %max3A : f32 to vector<10000x128xf32>
    %max3A_24 = arith.maximumf %add3A_22, %max3A_23 : vector<10000x128xf32>
    %reshape3A = vector.shape_cast %max3A_24 : vector<10000x128xf32> to vector<5000x2x128xf32>
    %reduce_sum3A = arith.constant dense<0.000000e+00> : vector<5000x128xf32>
    %reduce_sum3A_25 = vector.multi_reduction <add>, %reshape3A, %reduce_sum3A [1] : vector<5000x2x128xf32> to vector<5000x128xf32>
    %swap3A = arith.constant 0 : index
    %swap3A_26 = arith.constant 0 : index
    %swap3A_27 = vector.load %arg6[%swap3A, %swap3A_26] : memref<5000x128xf32, #tpu.memory_space<vmem>>, vector<5000x128xf32>
    tpu.vector_store %arg6[%swap3A, %swap3A_26], %reduce_sum3A_25 {strides = array<i32>} : memref<5000x128xf32, #tpu.memory_space<vmem>>, vector<5000x128xf32>,
    return
  }
}

module attributes {stable_mosaic.version = 14 : i64} {
  func.func @_mid_body(%arg0: memref<5000x128xf32, #tpu.memory_space<vmem>>, %arg1: memref<10000x128xf32, #tpu.memory_space<vmem>>, %arg2: memref<10000x128xf32, #tpu.memory_space<vmem>>, %arg3: memref<128x128xf32, #tpu.memory_space<vmem>>, %arg4: memref<128x128xf32, #tpu.memory_space<vmem>>, %arg5: memref<1x128xf32, #tpu.memory_space<vmem>>, %arg6: memref<128x128xf32, #tpu.memory_space<vmem>>, %arg7: memref<128x128xf32, #tpu.memory_space<vmem>>, %arg8: memref<1x128xf32, #tpu.memory_space<vmem>>, %arg9: memref<2500x128xf32, #tpu.memory_space<vmem>>, %arg10: memref<10000x128xf32, #tpu.memory_space<vmem>>) attributes {dimension_semantics = [], scalar_prefetch = 0 : i64, scratch_operands = 0 : i64, tpu.core_type = #tpu.core_type<tc>} {
    %get3A = arith.constant 0 : index
    %get3A_0 = arith.constant 0 : index
    %get3A_1 = vector.load %arg1[%get3A, %get3A_0] : memref<10000x128xf32, #tpu.memory_space<vmem>>, vector<10000x128xf32>
    %get3A_2 = arith.constant 0 : index
    %get3A_3 = arith.constant 0 : index
    %get3A_4 = vector.load %arg2[%get3A_2, %get3A_3] : memref<10000x128xf32, #tpu.memory_space<vmem>>, vector<10000x128xf32>
    %add3A = arith.addf %get3A_1, %get3A_4 : vector<10000x128xf32>
    %reshape3A = vector.shape_cast %add3A : vector<10000x128xf32> to vector<5000x2x128xf32>
    %reduce_sum3A = arith.constant dense<0.000000e+00> : vector<5000x128xf32>
    %reduce_sum3A_5 = vector.multi_reduction <add>, %reshape3A, %reduce_sum3A [1] : vector<5000x2x128xf32> to vector<5000x128xf32>
    %get3A_6 = arith.constant 0 : index
    %get3A_7 = arith.constant 0 : index
    %get3A_8 = vector.load %arg0[%get3A_6, %get3A_7] : memref<5000x128xf32, #tpu.memory_space<vmem>>, vector<5000x128xf32>
    %get3A_9 = arith.constant 0 : index
    %get3A_10 = arith.constant 0 : index
    %get3A_11 = vector.load %arg3[%get3A_9, %get3A_10] : memref<128x128xf32, #tpu.memory_space<vmem>>, vector<128x128xf32>
    %dot_general3A = arith.constant dense<0.000000e+00> : vector<5000x128xf32>
    %dot_general3A_12 = tpu.matmul %get3A_8, %get3A_11, %dot_general3A {dimension_numbers = #tpu.dot_dimension_numbers<[1], [0], [0], [1], [0, 0, 1, 1], [], []>, transpose_lhs_hint = false} : vector<5000x128xf32>, vector<128x128xf32>, vector<5000x128xf32> -> vector<5000x128xf32>
    %get3A_13 = arith.constant 0 : index
    %get3A_14 = arith.constant 0 : index
    %get3A_15 = vector.load %arg4[%get3A_13, %get3A_14] : memref<128x128xf32, #tpu.memory_space<vmem>>, vector<128x128xf32>
    %dot_general3A_16 = arith.constant dense<0.000000e+00> : vector<5000x128xf32>
    %dot_general3A_17 = tpu.matmul %reduce_sum3A_5, %get3A_15, %dot_general3A_16 {dimension_numbers = #tpu.dot_dimension_numbers<[1], [0], [0], [1], [0, 0, 1, 1], [], []>, transpose_lhs_hint = false} : vector<5000x128xf32>, vector<128x128xf32>, vector<5000x128xf32> -> vector<5000x128xf32>
    %add3A_18 = arith.addf %dot_general3A_12, %dot_general3A_17 : vector<5000x128xf32>
    %get3A_19 = arith.constant 0 : index
    %get3A_20 = arith.constant 0 : index
    %get3A_21 = vector.load %arg5[%get3A_19, %get3A_20] : memref<1x128xf32, #tpu.memory_space<vmem>>, vector<1x128xf32>
    %add3A_22 = vector.broadcast %get3A_21 : vector<1x128xf32> to vector<5000x128xf32>
    %add3A_23 = arith.addf %add3A_18, %add3A_22 : vector<5000x128xf32>
    %max3A = arith.constant 0.000000e+00 : f32
    %max3A_24 = vector.broadcast %max3A : f32 to vector<5000x128xf32>
    %max3A_25 = arith.maximumf %add3A_23, %max3A_24 : vector<5000x128xf32>
    %reshape3A_26 = vector.shape_cast %max3A_25 : vector<5000x128xf32> to vector<2500x2x128xf32>
    %reduce_sum3A_27 = arith.constant dense<0.000000e+00> : vector<2500x128xf32>
    %reduce_sum3A_28 = vector.multi_reduction <add>, %reshape3A_26, %reduce_sum3A_27 [1] : vector<2500x2x128xf32> to vector<2500x128xf32>
    %swap3A = arith.constant 0 : index
    %swap3A_29 = arith.constant 0 : index
    %swap3A_30 = vector.load %arg9[%swap3A, %swap3A_29] : memref<2500x128xf32, #tpu.memory_space<vmem>>, vector<2500x128xf32>
    tpu.vector_store %arg9[%swap3A, %swap3A_29], %reduce_sum3A_28 {strides = array<i32>} : memref<2500x128xf32, #tpu.memory_space<vmem>>, vector<2500x128xf32>,
    %get3A_31 = arith.constant 0 : index
    %get3A_32 = arith.constant 0 : index
    %get3A_33 = vector.load %arg6[%get3A_31, %get3A_32] : memref<128x128xf32, #tpu.memory_space<vmem>>, vector<128x128xf32>
    %dot_general3A_34 = arith.constant dense<0.000000e+00> : vector<5000x128xf32>
    %dot_general3A_35 = tpu.matmul %get3A_8, %get3A_33, %dot_general3A_34 {dimension_numbers = #tpu.dot_dimension_numbers<[1], [0], [0], [1], [0, 0, 1, 1], [], []>, transpose_lhs_hint = false} : vector<5000x128xf32>, vector<128x128xf32>, vector<5000x128xf32> -> vector<5000x128xf32>
    %mul3A = arith.constant 5.000000e-01 : f32
    %mul3A_36 = vector.broadcast %mul3A : f32 to vector<5000x128xf32>
    %mul3A_37 = arith.mulf %dot_general3A_35, %mul3A_36 : vector<5000x128xf32>
    %broadcast_in_dim3A = vector.shape_cast %mul3A_37 : vector<5000x128xf32> to vector<5000x1x128xf32>
    %broadcast_in_dim3A_38 = vector.shape_cast %broadcast_in_dim3A : vector<5000x1x128xf32> to vector<5000x1x128xf32>
    %broadcast_in_dim3A_39 = vector.broadcast %broadcast_in_dim3A_38 : vector<5000x1x128xf32> to vector<5000x2x128xf32>
    %reshape3A_40 = vector.shape_cast %broadcast_in_dim3A_39 : vector<5000x2x128xf32> to vector<10000x128xf32>
    %mul3A_41 = arith.constant 5.000000e-01 : f32
    %mul3A_42 = vector.broadcast %mul3A_41 : f32 to vector<10000x128xf32>
    %mul3A_43 = arith.mulf %add3A, %mul3A_42 : vector<10000x128xf32>
    %get3A_44 = arith.constant 0 : index
    %get3A_45 = arith.constant 0 : index
    %get3A_46 = vector.load %arg7[%get3A_44, %get3A_45] : memref<128x128xf32, #tpu.memory_space<vmem>>, vector<128x128xf32>
    %dot_general3A_47 = arith.constant dense<0.000000e+00> : vector<10000x128xf32>
    %dot_general3A_48 = tpu.matmul %mul3A_43, %get3A_46, %dot_general3A_47 {dimension_numbers = #tpu.dot_dimension_numbers<[1], [0], [0], [1], [0, 0, 1, 1], [], []>, transpose_lhs_hint = false} : vector<10000x128xf32>, vector<128x128xf32>, vector<10000x128xf32> -> vector<10000x128xf32>
    %add3A_49 = arith.addf %reshape3A_40, %dot_general3A_48 : vector<10000x128xf32>
    %get3A_50 = arith.constant 0 : index
    %get3A_51 = arith.constant 0 : index
    %get3A_52 = vector.load %arg8[%get3A_50, %get3A_51] : memref<1x128xf32, #tpu.memory_space<vmem>>, vector<1x128xf32>
    %add3A_53 = vector.broadcast %get3A_52 : vector<1x128xf32> to vector<10000x128xf32>
    %add3A_54 = arith.addf %add3A_49, %add3A_53 : vector<10000x128xf32>
    %max3A_55 = arith.constant 0.000000e+00 : f32
    %max3A_56 = vector.broadcast %max3A_55 : f32 to vector<10000x128xf32>
    %max3A_57 = arith.maximumf %add3A_54, %max3A_56 : vector<10000x128xf32>
    %swap3A_58 = arith.constant 0 : index
    %swap3A_59 = arith.constant 0 : index
    %swap3A_60 = vector.load %arg10[%swap3A_58, %swap3A_59] : memref<10000x128xf32, #tpu.memory_space<vmem>>, vector<10000x128xf32>
    tpu.vector_store %arg10[%swap3A_58, %swap3A_59], %max3A_57 {strides = array<i32>} : memref<10000x128xf32, #tpu.memory_space<vmem>>, vector<10000x128xf32>,
    return
  }
}

module attributes {stable_mosaic.version = 14 : i64} {
  func.func @_lift_conv_body(%arg0: memref<2500x128xf32, #tpu.memory_space<vmem>>, %arg1: memref<5000x128xf32, #tpu.memory_space<vmem>>, %arg2: memref<5000x128xf32, #tpu.memory_space<vmem>>, %arg3: memref<128x128xf32, #tpu.memory_space<vmem>>, %arg4: memref<128x128xf32, #tpu.memory_space<vmem>>, %arg5: memref<1x128xf32, #tpu.memory_space<vmem>>, %arg6: memref<5000x128xf32, #tpu.memory_space<vmem>>) attributes {dimension_semantics = [], scalar_prefetch = 0 : i64, scratch_operands = 0 : i64, tpu.core_type = #tpu.core_type<tc>} {
    %get3A = arith.constant 0 : index
    %get3A_0 = arith.constant 0 : index
    %get3A_1 = vector.load %arg0[%get3A, %get3A_0] : memref<2500x128xf32, #tpu.memory_space<vmem>>, vector<2500x128xf32>
    %get3A_2 = arith.constant 0 : index
    %get3A_3 = arith.constant 0 : index
    %get3A_4 = vector.load %arg3[%get3A_2, %get3A_3] : memref<128x128xf32, #tpu.memory_space<vmem>>, vector<128x128xf32>
    %dot_general3A = arith.constant dense<0.000000e+00> : vector<2500x128xf32>
    %dot_general3A_5 = tpu.matmul %get3A_1, %get3A_4, %dot_general3A {dimension_numbers = #tpu.dot_dimension_numbers<[1], [0], [0], [1], [0, 0, 1, 1], [], []>, transpose_lhs_hint = false} : vector<2500x128xf32>, vector<128x128xf32>, vector<2500x128xf32> -> vector<2500x128xf32>
    %mul3A = arith.constant 5.000000e-01 : f32
    %mul3A_6 = vector.broadcast %mul3A : f32 to vector<2500x128xf32>
    %mul3A_7 = arith.mulf %dot_general3A_5, %mul3A_6 : vector<2500x128xf32>
    %broadcast_in_dim3A = vector.shape_cast %mul3A_7 : vector<2500x128xf32> to vector<2500x1x128xf32>
    %broadcast_in_dim3A_8 = vector.shape_cast %broadcast_in_dim3A : vector<2500x1x128xf32> to vector<2500x1x128xf32>
    %broadcast_in_dim3A_9 = vector.broadcast %broadcast_in_dim3A_8 : vector<2500x1x128xf32> to vector<2500x2x128xf32>
    %reshape3A = vector.shape_cast %broadcast_in_dim3A_9 : vector<2500x2x128xf32> to vector<5000x128xf32>
    %get3A_10 = arith.constant 0 : index
    %get3A_11 = arith.constant 0 : index
    %get3A_12 = vector.load %arg1[%get3A_10, %get3A_11] : memref<5000x128xf32, #tpu.memory_space<vmem>>, vector<5000x128xf32>
    %get3A_13 = arith.constant 0 : index
    %get3A_14 = arith.constant 0 : index
    %get3A_15 = vector.load %arg2[%get3A_13, %get3A_14] : memref<5000x128xf32, #tpu.memory_space<vmem>>, vector<5000x128xf32>
    %add3A = arith.addf %get3A_12, %get3A_15 : vector<5000x128xf32>
    %mul3A_16 = arith.constant 5.000000e-01 : f32
    %mul3A_17 = vector.broadcast %mul3A_16 : f32 to vector<5000x128xf32>
    %mul3A_18 = arith.mulf %add3A, %mul3A_17 : vector<5000x128xf32>
    %get3A_19 = arith.constant 0 : index
    %get3A_20 = arith.constant 0 : index
    %get3A_21 = vector.load %arg4[%get3A_19, %get3A_20] : memref<128x128xf32, #tpu.memory_space<vmem>>, vector<128x128xf32>
    %dot_general3A_22 = arith.constant dense<0.000000e+00> : vector<5000x128xf32>
    %dot_general3A_23 = tpu.matmul %mul3A_18, %get3A_21, %dot_general3A_22 {dimension_numbers = #tpu.dot_dimension_numbers<[1], [0], [0], [1], [0, 0, 1, 1], [], []>, transpose_lhs_hint = false} : vector<5000x128xf32>, vector<128x128xf32>, vector<5000x128xf32> -> vector<5000x128xf32>
    %add3A_24 = arith.addf %reshape3A, %dot_general3A_23 : vector<5000x128xf32>
    %get3A_25 = arith.constant 0 : index
    %get3A_26 = arith.constant 0 : index
    %get3A_27 = vector.load %arg5[%get3A_25, %get3A_26] : memref<1x128xf32, #tpu.memory_space<vmem>>, vector<1x128xf32>
    %add3A_28 = vector.broadcast %get3A_27 : vector<1x128xf32> to vector<5000x128xf32>
    %add3A_29 = arith.addf %add3A_24, %add3A_28 : vector<5000x128xf32>
    %max3A = arith.constant 0.000000e+00 : f32
    %max3A_30 = vector.broadcast %max3A : f32 to vector<5000x128xf32>
    %max3A_31 = arith.maximumf %add3A_29, %max3A_30 : vector<5000x128xf32>
    %swap3A = arith.constant 0 : index
    %swap3A_32 = arith.constant 0 : index
    %swap3A_33 = vector.load %arg6[%swap3A, %swap3A_32] : memref<5000x128xf32, #tpu.memory_space<vmem>>, vector<5000x128xf32>
    tpu.vector_store %arg6[%swap3A, %swap3A_32], %max3A_31 {strides = array<i32>} : memref<5000x128xf32, #tpu.memory_space<vmem>>, vector<5000x128xf32>,
    return
  }
}

module attributes {stable_mosaic.version = 14 : i64} {
  func.func @_lift_conv_body(%arg0: memref<5000x128xf32, #tpu.memory_space<vmem>>, %arg1: memref<10000x128xf32, #tpu.memory_space<vmem>>, %arg2: memref<10000x128xf32, #tpu.memory_space<vmem>>, %arg3: memref<128x128xf32, #tpu.memory_space<vmem>>, %arg4: memref<128x128xf32, #tpu.memory_space<vmem>>, %arg5: memref<1x128xf32, #tpu.memory_space<vmem>>, %arg6: memref<10000x128xf32, #tpu.memory_space<vmem>>) attributes {dimension_semantics = [], scalar_prefetch = 0 : i64, scratch_operands = 0 : i64, tpu.core_type = #tpu.core_type<tc>} {
    %get3A = arith.constant 0 : index
    %get3A_0 = arith.constant 0 : index
    %get3A_1 = vector.load %arg0[%get3A, %get3A_0] : memref<5000x128xf32, #tpu.memory_space<vmem>>, vector<5000x128xf32>
    %get3A_2 = arith.constant 0 : index
    %get3A_3 = arith.constant 0 : index
    %get3A_4 = vector.load %arg3[%get3A_2, %get3A_3] : memref<128x128xf32, #tpu.memory_space<vmem>>, vector<128x128xf32>
    %dot_general3A = arith.constant dense<0.000000e+00> : vector<5000x128xf32>
    %dot_general3A_5 = tpu.matmul %get3A_1, %get3A_4, %dot_general3A {dimension_numbers = #tpu.dot_dimension_numbers<[1], [0], [0], [1], [0, 0, 1, 1], [], []>, transpose_lhs_hint = false} : vector<5000x128xf32>, vector<128x128xf32>, vector<5000x128xf32> -> vector<5000x128xf32>
    %mul3A = arith.constant 5.000000e-01 : f32
    %mul3A_6 = vector.broadcast %mul3A : f32 to vector<5000x128xf32>
    %mul3A_7 = arith.mulf %dot_general3A_5, %mul3A_6 : vector<5000x128xf32>
    %broadcast_in_dim3A = vector.shape_cast %mul3A_7 : vector<5000x128xf32> to vector<5000x1x128xf32>
    %broadcast_in_dim3A_8 = vector.shape_cast %broadcast_in_dim3A : vector<5000x1x128xf32> to vector<5000x1x128xf32>
    %broadcast_in_dim3A_9 = vector.broadcast %broadcast_in_dim3A_8 : vector<5000x1x128xf32> to vector<5000x2x128xf32>
    %reshape3A = vector.shape_cast %broadcast_in_dim3A_9 : vector<5000x2x128xf32> to vector<10000x128xf32>
    %get3A_10 = arith.constant 0 : index
    %get3A_11 = arith.constant 0 : index
    %get3A_12 = vector.load %arg1[%get3A_10, %get3A_11] : memref<10000x128xf32, #tpu.memory_space<vmem>>, vector<10000x128xf32>
    %get3A_13 = arith.constant 0 : index
    %get3A_14 = arith.constant 0 : index
    %get3A_15 = vector.load %arg2[%get3A_13, %get3A_14] : memref<10000x128xf32, #tpu.memory_space<vmem>>, vector<10000x128xf32>
    %add3A = arith.addf %get3A_12, %get3A_15 : vector<10000x128xf32>
    %mul3A_16 = arith.constant 5.000000e-01 : f32
    %mul3A_17 = vector.broadcast %mul3A_16 : f32 to vector<10000x128xf32>
    %mul3A_18 = arith.mulf %add3A, %mul3A_17 : vector<10000x128xf32>
    %get3A_19 = arith.constant 0 : index
    %get3A_20 = arith.constant 0 : index
    %get3A_21 = vector.load %arg4[%get3A_19, %get3A_20] : memref<128x128xf32, #tpu.memory_space<vmem>>, vector<128x128xf32>
    %dot_general3A_22 = arith.constant dense<0.000000e+00> : vector<10000x128xf32>
    %dot_general3A_23 = tpu.matmul %mul3A_18, %get3A_21, %dot_general3A_22 {dimension_numbers = #tpu.dot_dimension_numbers<[1], [0], [0], [1], [0, 0, 1, 1], [], []>, transpose_lhs_hint = false} : vector<10000x128xf32>, vector<128x128xf32>, vector<10000x128xf32> -> vector<10000x128xf32>
    %add3A_24 = arith.addf %reshape3A, %dot_general3A_23 : vector<10000x128xf32>
    %get3A_25 = arith.constant 0 : index
    %get3A_26 = arith.constant 0 : index
    %get3A_27 = vector.load %arg5[%get3A_25, %get3A_26] : memref<1x128xf32, #tpu.memory_space<vmem>>, vector<1x128xf32>
    %add3A_28 = vector.broadcast %get3A_27 : vector<1x128xf32> to vector<10000x128xf32>
    %add3A_29 = arith.addf %add3A_24, %add3A_28 : vector<10000x128xf32>
    %max3A = arith.constant 0.000000e+00 : f32
    %max3A_30 = vector.broadcast %max3A : f32 to vector<10000x128xf32>
    %max3A_31 = arith.maximumf %add3A_29, %max3A_30 : vector<10000x128xf32>
    %swap3A = arith.constant 0 : index
    %swap3A_32 = arith.constant 0 : index
    %swap3A_33 = vector.load %arg6[%swap3A, %swap3A_32] : memref<10000x128xf32, #tpu.memory_space<vmem>>, vector<10000x128xf32>
    tpu.vector_store %arg6[%swap3A, %swap3A_32], %max3A_31 {strides = array<i32>} : memref<10000x128xf32, #tpu.memory_space<vmem>>, vector<10000x128xf32>,
    return
  }
}

</mosaic_0001>

<sc_bundles>
// kernel: kernel.10.cloned.1.call-start
scs
__scs_entry_jumppad:
0x0: {  	(pc) =	sbr.rel $0x88, $3  }
0x1: {  	(tag) =	ssettag $0x0;
	lr =	simm.s32 $0x1  }
0x2: {  	[smem:$0x3F93] =	sst lr;
	_ =	strace $0xD0000000  }
0x3: {  	_ = 	snop  }
0x4: {  	_ = 	snop  }
0x5: {  	_ = 	snop  }
0x6: {  	_ = 	snop  }
0x7: {  	_ = 	snop  }
__scs_overlays_trampoline_lowered:
0x8: {  	[smem:$0x3FA2] =	sst s0  }
0x9: {  	[smem:$0x3FA3] =	sst s1  }
0xa: {  	[smem:$0x3FA4] =	sst s2  }
0xb: {  	[smem:$0x3FA5] =	sst s3  }
0xc: {  	[smem:$0x3FA6] =	sst s4  }
0xd: {  	[smem:$0x3FA7] =	sst s5  }
0xe: {  	[smem:$0x3FA8] =	sst s6  }
0xf: {  	[smem:$0x3FA9] =	sst s7  }
0x10: {  	[smem:$0x3FAA] =	sst s8  }
0x11: {  	[smem:$0x3FAB] =	sst s9;
	s0 =	simm.s32 @!p0 $0x0  }
0x12: {  	s1 =	sld [smem:$0x3F91];
	s0 =	simm.s32 @p0 $0x1  }
0x13: {  	[smem:$0x3FAC] =	sst s0;
	s0 =	simm.s32 @!p1 $0x0  }
0x14: {  	s2 =	sld [smem:$0x3F90];
	s0 =	simm.s32 @p1 $0x1  }
0x15: {  	[smem:$0x3FAD] =	sst s0;
	s0 =	simm.s32 @!p2 $0x0  }
0x16: {  	s3 =	sld [smem:$0x3FDB];
	s0 =	simm.s32 @p2 $0x1  }
0x17: {  	s4 =	simm.s32 $0x1BF5;
	[smem:$0x3FAF] =	sst s0  }
0x18: {  	s0 =	sld [smem:$0x3F92];
	_ =	swait.ge [sflag:s4], $0x0  }
0x19: {  	s7 =	sld [smem:$0x3F93]  }
0x1a: {  	s8 =	sadd.s32 $0xFFFFE003, lr  }
0x1b: {  	s9 =	sadd.s32 $0xFFFFFEF7, lr;
	s5 =	simm.s32 $0xFFFFFFFF;
	p2 =	slt.u32 s8, $0xFFFFF086  }
0x1c: {  	p1 =	slt.u32 s9, $0xF7A;
	s5 =	simm.s32 @!p2 $0x0  }
0x1d: {  	s5 =	simm.s32 @p1 $0x1;
	p0 =	seq.s32 s7, s2  }
0x1e: {  	s7 =	smul.u32 @!p0 $0xF7A, s2;
	p2 =	seq.s32 @!p0 s5, $0x0  }
0x1f: {  	s9 =	smul.u32 $0xF7A, s1;
	s8 =	simm.s32 @!p0 $0x1BF5;
	p2 =	por !p2, p0  }
0x20: {  	[sflag:s8] =	ssyncset.s32 @!p0 $0xFFFFF086;
	s6 =	sadd.s32 @!p0 s3, s7;
	s7 =	simm.s32 @!p0 $0x108  }
0x21: {  	s3 =	sadd.s32 s3, s9;
	s6 =	sadd.s32 @!p0 $0x88, s6;
	s7 =	simm.s32 @p2 $0x1082  }
0x22: {  	[simem:s7], [sflag:s8] =	dma.local @!p0 [hbm:s6], $0xF7A  }
0x23: {  	s9 =	sor.u32 $0xD0000000, s2;
	s6 =	simm.s32 $0x108;
	_ =	swait.ge @!p0 [sflag:s8], $0x0  }
0x24: {  	s3 =	sadd.s32 $0x88, s3;
	s6 =	simm.s32 @!p1 $0x1082;
	[sflag:s4] =	ssyncset.s32 $0xFFFFF086  }
0x25: {  	[simem:s6], [sflag:s4] =	dma.local [hbm:s3], $0xF7A  }
0x26: {  	[smem:$0x3F93] =	sst s1;
	(tag) =	ssettag s2;
	_ =	strace s9  }
0x27: {  	s1 =	sld [smem:$0x3FA3]  }
0x28: {  	s2 =	sld [smem:$0x3FA4]  }
0x29: {  	s4 =	sld [smem:$0x3FA6]  }
0x2a: {  	p0 =	seq.s32 s5, $0x0;
	s5 =	sld [smem:$0x3FA7]  }
0x2b: {  	s6 =	sld [smem:$0x3FA8]  }
0x2c: {  	s7 =	sld [smem:$0x3FA9]  }
0x2d: {  	s3 =	simm.s32 $0x108;
	s8 =	sld [smem:$0x3FAA]  }
0x2e: {  	s3 =	simm.s32 @!p0 $0x1082;
	s9 =	sld [smem:$0x3FAB]  }
0x2f: {  	lr =	sadd.s32 s0, s3;
	s0 =	sld [smem:$0x3FA2]  }
0x30: {  	s3 =	sld [smem:$0x3FA5]  }
0x31: {  	[smem:$0x3FAE] =	sst s10  }
0x32: {  	s10 =	sld [smem:$0x3FAC];
	_ =	sdelay $0x3  }
0x33: {  	p0 =	seq.s32 s10, $0x1;
	s10 =	sld [smem:$0x3FAE];
	_ =	sdelay $0x3  }
0x34: {  	[smem:$0x3FAE] =	sst s10  }
0x35: {  	s10 =	sld [smem:$0x3FAD];
	_ =	sdelay $0x3  }
0x36: {  	p1 =	seq.s32 s10, $0x1;
	s10 =	sld [smem:$0x3FAE];
	_ =	sdelay $0x3  }
0x37: {  	[smem:$0x3FAE] =	sst s10  }
0x38: {  	s10 =	sld [smem:$0x3FAF]  }
0x39: {  	_ = 	snop;
	(pc) =	sbr.ind lr, $3  }
0x3a: {  	_ = 	snop  }
0x3b: {  	_ = 	snop  }
0x3c: {  	p2 =	seq.s32 s10, $0x1;
	s10 =	sld [smem:$0x3FAE]  }
0x3d: {  	_ =	shalt  }
0x3e: {  	_ =	shalt  }
0x3f: {  	_ =	shalt  }
0x40: {  	_ =	shalt  }
0x41: {  	_ =	shalt  }
0x42: {  	_ =	shalt  }
0x43: {  	_ =	shalt  }
0x44: {  	_ =	shalt  }
0x45: {  	_ =	shalt  }
0x46: {  	_ =	shalt  }
0x47: {  	_ =	shalt  }
0x48: {  	_ =	shalt  }
0x49: {  	_ =	shalt  }
0x4a: {  	_ =	shalt  }
0x4b: {  	_ =	shalt  }
0x4c: {  	_ =	shalt  }
0x4d: {  	_ =	shalt  }
0x4e: {  	_ =	shalt  }
0x4f: {  	_ =	shalt  }
0x50: {  	_ =	shalt  }
0x51: {  	_ =	shalt  }
0x52: {  	_ =	shalt  }
0x53: {  	_ =	shalt  }
0x54: {  	_ =	shalt  }
0x55: {  	_ =	shalt  }
0x56: {  	_ =	shalt  }
0x57: {  	_ =	shalt  }
0x58: {  	_ =	shalt  }
0x59: {  	_ =	shalt  }
0x5a: {  	_ =	shalt  }
0x5b: {  	_ =	shalt  }
0x5c: {  	_ =	shalt  }
0x5d: {  	_ =	shalt  }
0x5e: {  	_ =	shalt  }
0x5f: {  	_ =	shalt  }
0x60: {  	_ =	shalt  }
0x61: {  	_ =	shalt  }
0x62: {  	_ =	shalt  }
0x63: {  	_ =	shalt  }
0x64: {  	_ =	shalt  }
0x65: {  	_ =	shalt  }
0x66: {  	_ =	shalt  }
0x67: {  	_ =	shalt  }
0x68: {  	_ =	shalt  }
0x69: {  	_ =	shalt  }
0x6a: {  	_ =	shalt  }
0x6b: {  	_ =	shalt  }
0x6c: {  	_ =	shalt  }
0x6d: {  	_ =	shalt  }
0x6e: {  	_ =	shalt  }
0x6f: {  	_ =	shalt  }
0x70: {  	_ =	shalt  }
0x71: {  	_ =	shalt  }
0x72: {  	_ =	shalt  }
0x73: {  	_ =	shalt  }
0x74: {  	_ =	shalt  }
0x75: {  	_ =	shalt  }
0x76: {  	_ =	shalt  }
0x77: {  	_ =	shalt  }
0x78: {  	_ =	shalt  }
0x79: {  	_ =	shalt  }
0x7a: {  	_ =	shalt  }
0x7b: {  	_ =	shalt  }
0x7c: {  	_ =	shalt  }
0x7d: {  	_ =	shalt  }
0x7e: {  	_ =	shalt  }
0x7f: {  	_ =	shalt  }
0x80: {  	_ =	shalt  }
0x81: {  	_ =	shalt  }
0x82: {  	_ =	shalt  }
0x83: {  	_ =	shalt  }
0x84: {  	_ =	shalt  }
0x85: {  	_ =	shalt  }
0x86: {  	_ =	shalt  }
0x87: {  	_ =	shalt  }
.Lfunc_end0:
.L_simem_size_0:
called_computation_lowered:
.L_overlay_start_0:
0x88: {  	s2 =	sld [smem:$0x3FD9]  }
0x89: {  	s3 =	sld [smem:$0x3FFE];
	_ =	sdelay $0x1  }
0x8a: {  	s1 =	srdreg.scid  }
0x8b: {  	s0 =	sand.u32 $0x1, s1  }
0x8c: {  	s14 =	sshll.u32 s0, $0xA;
	s2 =	sadd.s32 s3, s2  }
0x8d: {  	s2 =	sadd.s32 s2, s14  }
0x8e: {  	[smem:$0x3FBA] =	sst s2  }
0x8f: {  	_ = 	snop  }
0x90: {  	s2 =	sld [smem:$0x3FD0];
	_ =	sdelay $0x2  }
0x91: {  	s4 =	simm.s32 $0xA;
	s5 =	simm.s32 $0x10;
	s15 =	sld [smem:$0x3FC9]  }
0x92: {  	[smem:s5], [sflag:s4] =	dma.local [hbm:s2], $0x1  }
0x93: {  	_ =	swait.eq [sflag:s4], $0x1  }
0x94: {  	s16 =	sld [smem:$0x10];
	[sflag:s4] =	ssyncset.done $0x0  }
0x95: {  	s17 =	sld [smem:$0x11];
	[sflag:s4] =	ssyncadd.s32 $0xFFFFFFFF  }
0x96: {  	s18 =	sld [smem:$0x12];
	(tm) =	ssettm $0x1  }
0x97: {  	s6 =	sld [smem:$0x3FFB];
	_ =	sdelay $0x3  }
0x98: {  	_ =	strace s6  }
0x99: {  	s6 =	sld [smem:$0x3FFC];
	_ =	sdelay $0x3  }
0x9a: {  	_ =	strace s6  }
0x9b: {  	s6 =	sld [smem:$0x3FFD];
	_ =	sdelay $0x3  }
0x9c: {  	_ =	strace s6  }
0x9d: {  	_ =	strace $0x8FFFFFFF  }
0x9e: {  	s19 =	sld [smem:$0x3FDB];
	_ =	sdelay $0x1  }
0x9f: {  	s7 =	simm.s32 $_scs_section_size  }
0xa0: {  	s8 =	simm.s32 $_size__tile_overlayer_lowered;
	s9 =	simm.s32 $_tile_overlayer_lowered  }
0xa1: {  	s22 =	simm.s32 $0x1BFF;
	s21 =	sshll.u32 s9, $0x1;
	s6 =	sadd.s32 s7, s19  }
0xa2: {  	s10 =	simm.s32 $0x0;
	s20 =	sshll.u32 s8, $0x1;
	s8 =	sadd.s32 s21, s6  }
0xa3: {  	[timem:s10], [sflag:s22] =	dma.local [hbm:s8], s20  }
0xa4: {  	_ =	swait.ge [sflag:s22], s20  }
0xa5: {  	s7 =	ssub.s32 $0x0, s20;
	[sflag:s22] =	ssyncset.done $0x0  }
0xa6: {  	[sflag:s22] =	ssyncadd.s32 s7;
	_ =	sdelay $0x1  }
0xa7: {  	s23 =	simm.s32 $0x1B8B  }
0xa8: {  	_ =	swait.ge [sflag:s23], $0x1  }
0xa9: {  	[sflag:s23] =	ssyncset.done $0x0  }
0xaa: {  	s25 =	simm.s32 $0x1B8E;
	s24 =	sld [smem:$0x3FFE];
	[sflag:s23] =	ssyncadd.s32 $0xFFFFFFFF  }
0xab: {  	s26 =	simm.s32 $execute0_lowered;
	[smem:$0x3FD2] =	sst s25  }
0xac: {  	s8 =	sshll.u32 s26, $0x1;
	_ =	strace $0x80000046;
	[dreg:$0x1] =	wrdreg $0xFFFFFFFF  }
0xad: {  	s28 =	simm.s32 $_size_execute0_lowered;
	s6 =	sadd.s32 s6, s8;
	[dreg:$0x0] =	wrdreg $0x0  }
0xae: {  	s8 =	sshll.u32 s28, $0x1;
	[dreg:$0x2] =	wrdreg s6  }
0xaf: {  	[dreg:$0x3] =	wrdreg s8  }
0xb0: {  	[dreg:$0x4] =	wrdreg $0xC0  }
0xb1: {  	_ =	task [dreg:s10], $0x5FFFF  }
0xb2: {  	[dreg:$0x1] =	wrdreg $0xFFFFFFFF  }
0xb3: {  	[dreg:$0x0] =	wrdreg $0x60  }
0xb4: {  	[dreg:$0x2] =	wrdreg s15  }
0xb5: {  	[dreg:$0x3] =	wrdreg s18  }
0xb6: {  	[dreg:$0x4] =	wrdreg s24  }
0xb7: {  	[dreg:$0x5] =	wrdreg s17  }
0xb8: {  	[dreg:$0x6] =	wrdreg s16  }
0xb9: {  	[dreg:$0x7] =	wrdreg $0xA8000  }
0xba: {  	[dreg:$0x8] =	wrdreg $0x9  }
0xbb: {  	_ =	task.clear_ibuf [dreg:s10], $0x9FFFF;
	_ =	strace $0x90000046  }
0xbc: {  	s29 =	simm.s32 $0x9;
	_ =	strace $0x80000048  }
0xbd: {  	_ =	swait.ge [sflag:s29], $0x1  }
0xbe: {  	[sflag:s29] =	ssyncadd.s32 $0xFFFFFFFF  }
0xbf: {  	_ =	strace $0x90000048  }
0xc0: {  	_ =	sfence  }
0xc1: {  	s30 =	sld [smem:$0x0];
	_ =	sdelay $0x2  }
0xc2: {  	s31 =	sshll.u32 s1, $0xD;
	s1 =	sshrl.u32 s1, $0x2  }
0xc3: {  	s3 =	sand.u32 $0x4000, s31;
	s1 =	sadd.s32 s1, s30  }
0xc4: {  	s0 =	sor.u32 s3, s0;
	s1 =	sshll.u32 s1, $0x11  }
0xc5: {  	s0 =	sor.u32 s1, s0  }
0xc6: {  	s0 =	sadd.s32 $0x8F2B, s0  }
0xc7: {  	[sflag:s0] =	ssyncadd.remote.s32 $0x1  }
0xc8: {  	_ =	sfence.sel $0xFFFF  }
0xc9: {  	[dreg:$0x0] =	wrdreg $0xFFFFFFFF;
	(pc) =	sbr.abs _section_cstart, $3  }
0xca: {  	[dreg:$0x1] =	wrdreg $0xFFFFFFFF  }
0xcb: {  	_ =	task.clear_ibuf [dreg:s10], $0x2FFFF;
	_ =	strace $0x9FFFFFFF  }
0xcc: {  	(tm) =	ssettm $0x7FFFFFFF  }
0xcd: {  	_ =	shalt  }
tec
execute0_lowered:
.L_overlay_start_1:
0x0: {  	(tag) =	ssettag $0x1  }
0x1: {  	s1 =	rddreg [dreg:$0x0]  }
0x2: {  	s5 =	rddreg [dreg:$0x1]  }
0x3: {  	s6 =	rddreg [dreg:$0x2]  }
0x4: {  	s8 =	rddreg [dreg:$0x3]  }
0x5: {  	s9 =	rddreg [dreg:$0x4]  }
0x6: {  	s2 =	rddreg [dreg:$0x5]  }
0x7: {  	s0 =	rddreg [dreg:$0x6]  }
0x8: {  	s4 =	simm.s32 $0x0;
	s7 =	srdreg.scid;
	s3 =	stileid.u32  }
0x9: {  	s17 =	simm.s32 $0x50;
	s18 =	simm.s32 $0x8000;
	s19 =	simm.s32 $0x1  }
0xa: {  	s20 =	simm.s32 $0x0;
	[smem:$0x7FF] =	sst s4;
	s12 =	smul.u32 $0x4E000, s3  }
0xb: {  	s7 =	sand.u32 $0x1, s7;
	s11 =	sshll.u32 s3, $0xB;
	s13 =	smul.u32 $0x2700, s3  }
0xc: {  	s29 =	smul.u32 $0x13800, s3;
	p0 =	seq.s32 s3, $0xF;
	_ =	strace $0x80000047  }
0xd: {  	s10 =	sshll.u32 s7, $0xF;
	s26 =	ssub.s32 $0x2, s7;
	s15 =	smul.u32 $0x138800, s7  }
0xe: {  	s10 =	sor.u32 s11, s10;
	s14 =	sshrl.u32 s26, $0x1;
	s28 =	sshrl.u32 s12, $0x2  }
0xf: {  	s7 =	sadd.s32 s8, s13;
	s8 =	sadd.s32 $0x24900, s8;
	s13 =	simm.s32 $0x4000  }
0x10: {  	s6 =	sadd.s32 s10, s6;
	s11 =	ssub.s32 s26, s14;
	s5 =	sadd.s32 s5, s10  }
0x11: {  	s16 =	sadd.s32 s28, s2;
	s30 =	sadd.s32 s29, s15;
	s31 =	sshrl.u32 s15, $0x3  }
0x12: {  	s14 =	sadd.s32 $0x124800, s2;
	s15 =	sshll.u32 @!p0 s3, $0x6;
	s6 =	sadd.s32 $0x4000, s6  }
0x13: {  	s10 =	sshrl.u32 s30, $0x3;
	s12 =	sadd.s32 s9, s31;
	s11 =	smax.u32 s11, $0x1  }
0x14: {  	s14 =	sshrl.u32 @p0 s14, $0x3;
	s15 =	sor.u32 @!p0 $0x1C02, s15;
	s16 =	sshrl.u32 @!p0 s16, $0x3  }
0x15: {  	s9 =	sadd.s32 s9, s10;
	s10 =	sadd.s32 $0x24900, s12;
	s12 =	simm.s32 $0x2  }
.LBB2_1:
0x16: {  	[tilespmem:s4], [sflag:$0x2] =	stream.linear.gather [hbm4b:s5+s4], $0x3E80, $0x38;
	[tilespmem:$0x1E080] =	vst v63  }
0x17: {  	_ =	swait.ge [sflag:s12], $0x3E80  }
0x18: {  	[sflag:s12] =	ssyncset.done $0x0  }
0x19: {  	[sflag:s12] =	ssyncadd.s32 $0xFFFFC180  }
0x1a: {  	[tilespmem:s13], [sflag:$0x2] =	stream.linear.gather [hbm4b:s6+s4], $0x3E80, $0x38;
	[tilespmem:$0x1E080] =	vst v63  }
0x1b: {  	_ =	swait.ge [sflag:s12], $0x3E80  }
0x1c: {  	[sflag:s12] =	ssyncset.done $0x0  }
0x1d: {  	s21 =	simm.s32 @p0 $0x1FC2;
	[sflag:s12] =	ssyncadd.s32 $0xFFFFC180  }
0x1e: {  	[spmem:s14], [sflag:s21] =	dma.local @p0 [hbm:s8], $0x2800  }
0x1f: {  	s21 =	simm.s32 @p0 $0x2  }
0x20: {  	_ =	swait.ge @p0 [sflag:s21], $0x2800  }
0x21: {  	[sflag:s21] =	ssyncset.done @p0 $0x0  }
0x22: {  	[sflag:s21] =	ssyncadd.s32 @p0 $0xFFFFD800;
	s21 =	simm.s32 @!p0 $0x2  }
0x23: {  	[spmem:s16], [sflag:s15] =	dma.local @!p0 [hbm:s7], $0x2700  }
0x24: {  	_ =	swait.ge @!p0 [sflag:s21], $0x2700  }
0x25: {  	[sflag:s21] =	ssyncset.done @!p0 $0x0  }
0x26: {  	[sflag:s21] =	ssyncadd.s32 @!p0 $0xFFFFD900  }
0x27: {  	s30 =	simm.s32 $0x0;
	[bflag:$0x0] =	sbarrier.arrive $0xFFFF  }
0x28: {  	[tilespmem:s18], [sflag:$0x1] =	stream.indirect.gather [hbm4b:s1+s17], $0x80, s30, s17, $0xb8;
	[tilespmem:$0x1E080] =	vst v63  }
0x29: {  	_ =	swait.ge [sflag:s19], $0x2800  }
0x2a: {  	[sflag:s19] =	ssyncset.done $0x0  }
0x2b: {  	s31 =	simm.s32 $0x4000;
	[sflag:s19] =	ssyncadd.s32 $0xFFFFD800  }
0x2c: {  	[spmem:s2] =	stream.indirect.scatter.add.f32 [tilespmem:s18], [sflag:$0x2], $0x80, s31, s17, $0xb8;
	[tilespmem:$0x1E080] =	vst v63  }
0x2d: {  	_ =	swait.ge [sflag:s12], $0x2800  }
0x2e: {  	s22 =	simm.s32 $0x400;
	s21 =	simm.s32 $0x200;
	[sflag:s12] =	ssyncset.done $0x0  }
.LBB2_2:
0x2f: {  	s23 =	sshra.s32 s21, $0x2  }
0x30: {  	[sflag:s12] =	ssyncadd.s32 $0xFFFFD800;
	s21 =	smov.u32 s22;
	s24 =	sadd.s32 $0x200, s22  }
0x31: {  	[tilespmem:s18], [sflag:$0x1] =	stream.indirect.gather [hbm4b:s1+s17], $0x80, s23, s17, $0xb8;
	[tilespmem:$0x1E080] =	vst v63  }
0x32: {  	p1 =	sne.s32 s22, $0xF800;
	_ =	swait.ge [sflag:s19], $0x2800  }
.Ltmp0:
0x33: {  	[sflag:s19] =	ssyncset.done $0x0;
	(pc) =	sbr.rel @p1 .LBB2_2-.Ltmp0, $4  }
0x34: {  	s22 =	sadd.s32 $0x4000, s23;
	[sflag:s19] =	ssyncadd.s32 $0xFFFFD800  }
0x35: {  	[spmem:s2] =	stream.indirect.scatter.add.f32 [tilespmem:s18], [sflag:$0x2], $0x80, s22, s17, $0xb8;
	[tilespmem:$0x1E080] =	vst v63  }
0x36: {  	_ =	swait.ge [sflag:s12], $0x2800  }
0x37: {  	s22 =	smov.u32 s24;
	[sflag:s12] =	ssyncset.done $0x0  }
0x38: {  	s21 =	sshra.s32 s21, $0x2;
	[sflag:s12] =	ssyncadd.s32 $0xFFFFD800  }
0x39: {  	[tilespmem:s18], [sflag:$0x1] =	stream.indirect.gather [hbm4b:s1+s17], $0x80, s21, s17, $0xb8;
	[tilespmem:$0x1E080] =	vst v63  }
0x3a: {  	_ =	swait.ge [sflag:s19], $0x2800  }
0x3b: {  	[sflag:s19] =	ssyncset.done $0x0  }
0x3c: {  	s21 =	sadd.s32 $0x4000, s21;
	[sflag:s19] =	ssyncadd.s32 $0xFFFFD800  }
0x3d: {  	[spmem:s2] =	stream.indirect.scatter.add.f32 [tilespmem:s18], [sflag:$0x2], $0x80, s21, s17, $0xb8;
	[tilespmem:$0x1E080] =	vst v63  }
0x3e: {  	_ =	swait.ge [sflag:s12], $0x2800  }
0x3f: {  	[sflag:s12] =	ssyncset.done $0x0  }
0x40: {  	[sflag:s12] =	ssyncadd.s32 $0xFFFFD800  }
0x41: {  	s21 =	simm.s32 @p0 $0x1FC2;
	[bflag:$0x0] =	sbarrier.arrive $0xFFFF  }
0x42: {  	[hbm:s10], [sflag:s21] =	dma.local @p0 [spmem:s14], $0x2800  }
0x43: {  	s21 =	simm.s32 @p0 $0x2  }
0x44: {  	s20 =	sadd.s32 $0x1, s20;
	_ =	swait.ge @p0 [sflag:s21], $0x2800  }
0x45: {  	p1 =	sne.s32 s20, s11;
	[sflag:s21] =	ssyncset.done @p0 $0x0  }
.Ltmp1:
0x46: {  	[sflag:s21] =	ssyncadd.s32 @p0 $0xFFFFD800;
	s21 =	simm.s32 @!p0 $0x2;
	(pc) =	sbr.rel @p1 .LBB2_1-.Ltmp1, $4  }
0x47: {  	[hbm:s9], [sflag:s15] =	dma.local @!p0 [spmem:s16], $0x2700  }
0x48: {  	_ =	swait.ge @!p0 [sflag:s21], $0x2700  }
0x49: {  	[sflag:s21] =	ssyncset.done @!p0 $0x0  }
0x4a: {  	[sflag:s21] =	ssyncadd.s32 @!p0 $0xFFFFD900  }
0x4b: {  	_ =	sfence.sel $0x180000  }
0x4c: {  	[bflag:$0x0] =	sbarrier.arrive $0xFFFF  }
0x4d: {  	p0 =	sne.s32 s3, $0x0;
	_ =	strace $0x90000047  }
0x4e: {  	s0 =	sadd.s32 @!p0 $0x100000, s0;
	[bflag:$0x2] =	sbarrier.arrive $0xFFFF  }
0x4f: {  	[sflag:s0] =	ssyncadd.tile.s32 @!p0 $0x1;
	_ =	shalt  }
.Lfunc_end2:
_tile_overlayer_lowered:
.L_overlay_start_2:
0x50: {  	(tag) =	ssettag $0x2  }
0x51: {  	s0 =	rddreg [dreg:$0x0];
	s2 =	stileid.u32  }
0x52: {  	s1 =	rddreg [dreg:$0x1];
	p0 =	sne.s32 s2, $0x0  }
0x53: {  	s3 =	rddreg [dreg:$0x2];
	[bflag:$0x3] =	sbarrier.arrive $0xFFFF;
	s2 =	simm.s32 @!p0 $0x1C02  }
0x54: {  	[timem:s3], [sflag:s2] =	dma.local @!p0 [hbm:s0], s1  }
0x55: {  	s0 =	simm.s32 @!p0 $0x2  }
0x56: {  	_ =	swait.ge @!p0 [sflag:s0], s1  }
0x57: {  	s1 =	ssub.s32 @!p0 $0x0, s1;
	[sflag:s0] =	ssyncset.done @!p0 $0x0  }
0x58: {  	[sflag:s0] =	ssyncadd.s32 @!p0 s1  }
0x59: {  	[bflag:$0x3] =	sbarrier.arrive $0xFFFF  }
0x5a: {  	_ =	shalt  }

// kernel: kernel.13.cloned.1.call-start
scs
__scs_entry_jumppad:
0x0: {  	(pc) =	sbr.rel $0x88, $3  }
0x1: {  	(tag) =	ssettag $0x0;
	lr =	simm.s32 $0x1  }
0x2: {  	[smem:$0x3F93] =	sst lr;
	_ =	strace $0xD0000000  }
0x3: {  	_ = 	snop  }
0x4: {  	_ = 	snop  }
0x5: {  	_ = 	snop  }
0x6: {  	_ = 	snop  }
0x7: {  	_ = 	snop  }
__scs_overlays_trampoline_lowered:
0x8: {  	[smem:$0x3FA2] =	sst s0  }
0x9: {  	[smem:$0x3FA3] =	sst s1  }
0xa: {  	[smem:$0x3FA4] =	sst s2  }
0xb: {  	[smem:$0x3FA5] =	sst s3  }
0xc: {  	[smem:$0x3FA6] =	sst s4  }
0xd: {  	[smem:$0x3FA7] =	sst s5  }
0xe: {  	[smem:$0x3FA8] =	sst s6  }
0xf: {  	[smem:$0x3FA9] =	sst s7  }
0x10: {  	[smem:$0x3FAA] =	sst s8  }
0x11: {  	[smem:$0x3FAB] =	sst s9;
	s0 =	simm.s32 @!p0 $0x0  }
0x12: {  	s1 =	sld [smem:$0x3F91];
	s0 =	simm.s32 @p0 $0x1  }
0x13: {  	[smem:$0x3FAC] =	sst s0;
	s0 =	simm.s32 @!p1 $0x0  }
0x14: {  	s2 =	sld [smem:$0x3F90];
	s0 =	simm.s32 @p1 $0x1  }
0x15: {  	[smem:$0x3FAD] =	sst s0;
	s0 =	simm.s32 @!p2 $0x0  }
0x16: {  	s3 =	sld [smem:$0x3FDB];
	s0 =	simm.s32 @p2 $0x1  }
0x17: {  	s4 =	simm.s32 $0x1BF5;
	[smem:$0x3FAF] =	sst s0  }
0x18: {  	s0 =	sld [smem:$0x3F92];
	_ =	swait.ge [sflag:s4], $0x0  }
0x19: {  	s7 =	sld [smem:$0x3F93]  }
0x1a: {  	s8 =	sadd.s32 $0xFFFFE003, lr  }
0x1b: {  	s9 =	sadd.s32 $0xFFFFFEF7, lr;
	s5 =	simm.s32 $0xFFFFFFFF;
	p2 =	slt.u32 s8, $0xFFFFF086  }
0x1c: {  	p1 =	slt.u32 s9, $0xF7A;
	s5 =	simm.s32 @!p2 $0x0  }
0x1d: {  	s5 =	simm.s32 @p1 $0x1;
	p0 =	seq.s32 s7, s2  }
0x1e: {  	s7 =	smul.u32 @!p0 $0xF7A, s2;
	p2 =	seq.s32 @!p0 s5, $0x0  }
0x1f: {  	s9 =	smul.u32 $0xF7A, s1;
	s8 =	simm.s32 @!p0 $0x1BF5;
	p2 =	por !p2, p0  }
0x20: {  	[sflag:s8] =	ssyncset.s32 @!p0 $0xFFFFF086;
	s6 =	sadd.s32 @!p0 s3, s7;
	s7 =	simm.s32 @!p0 $0x108  }
0x21: {  	s3 =	sadd.s32 s3, s9;
	s6 =	sadd.s32 @!p0 $0x88, s6;
	s7 =	simm.s32 @p2 $0x1082  }
0x22: {  	[simem:s7], [sflag:s8] =	dma.local @!p0 [hbm:s6], $0xF7A  }
0x23: {  	s9 =	sor.u32 $0xD0000000, s2;
	s6 =	simm.s32 $0x108;
	_ =	swait.ge @!p0 [sflag:s8], $0x0  }
0x24: {  	s3 =	sadd.s32 $0x88, s3;
	s6 =	simm.s32 @!p1 $0x1082;
	[sflag:s4] =	ssyncset.s32 $0xFFFFF086  }
0x25: {  	[simem:s6], [sflag:s4] =	dma.local [hbm:s3], $0xF7A  }
0x26: {  	[smem:$0x3F93] =	sst s1;
	(tag) =	ssettag s2;
	_ =	strace s9  }
0x27: {  	s1 =	sld [smem:$0x3FA3]  }
0x28: {  	s2 =	sld [smem:$0x3FA4]  }
0x29: {  	s4 =	sld [smem:$0x3FA6]  }
0x2a: {  	p0 =	seq.s32 s5, $0x0;
	s5 =	sld [smem:$0x3FA7]  }
0x2b: {  	s6 =	sld [smem:$0x3FA8]  }
0x2c: {  	s7 =	sld [smem:$0x3FA9]  }
0x2d: {  	s3 =	simm.s32 $0x108;
	s8 =	sld [smem:$0x3FAA]  }
0x2e: {  	s3 =	simm.s32 @!p0 $0x1082;
	s9 =	sld [smem:$0x3FAB]  }
0x2f: {  	lr =	sadd.s32 s0, s3;
	s0 =	sld [smem:$0x3FA2]  }
0x30: {  	s3 =	sld [smem:$0x3FA5]  }
0x31: {  	[smem:$0x3FAE] =	sst s10  }
0x32: {  	s10 =	sld [smem:$0x3FAC];
	_ =	sdelay $0x3  }
0x33: {  	p0 =	seq.s32 s10, $0x1;
	s10 =	sld [smem:$0x3FAE];
	_ =	sdelay $0x3  }
0x34: {  	[smem:$0x3FAE] =	sst s10  }
0x35: {  	s10 =	sld [smem:$0x3FAD];
	_ =	sdelay $0x3  }
0x36: {  	p1 =	seq.s32 s10, $0x1;
	s10 =	sld [smem:$0x3FAE];
	_ =	sdelay $0x3  }
0x37: {  	[smem:$0x3FAE] =	sst s10  }
0x38: {  	s10 =	sld [smem:$0x3FAF]  }
0x39: {  	_ = 	snop;
	(pc) =	sbr.ind lr, $3  }
0x3a: {  	_ = 	snop  }
0x3b: {  	_ = 	snop  }
0x3c: {  	p2 =	seq.s32 s10, $0x1;
	s10 =	sld [smem:$0x3FAE]  }
0x3d: {  	_ =	shalt  }
0x3e: {  	_ =	shalt  }
0x3f: {  	_ =	shalt  }
0x40: {  	_ =	shalt  }
0x41: {  	_ =	shalt  }
0x42: {  	_ =	shalt  }
0x43: {  	_ =	shalt  }
0x44: {  	_ =	shalt  }
0x45: {  	_ =	shalt  }
0x46: {  	_ =	shalt  }
0x47: {  	_ =	shalt  }
0x48: {  	_ =	shalt  }
0x49: {  	_ =	shalt  }
0x4a: {  	_ =	shalt  }
0x4b: {  	_ =	shalt  }
0x4c: {  	_ =	shalt  }
0x4d: {  	_ =	shalt  }
0x4e: {  	_ =	shalt  }
0x4f: {  	_ =	shalt  }
0x50: {  	_ =	shalt  }
0x51: {  	_ =	shalt  }
0x52: {  	_ =	shalt  }
0x53: {  	_ =	shalt  }
0x54: {  	_ =	shalt  }
0x55: {  	_ =	shalt  }
0x56: {  	_ =	shalt  }
0x57: {  	_ =	shalt  }
0x58: {  	_ =	shalt  }
0x59: {  	_ =	shalt  }
0x5a: {  	_ =	shalt  }
0x5b: {  	_ =	shalt  }
0x5c: {  	_ =	shalt  }
0x5d: {  	_ =	shalt  }
0x5e: {  	_ =	shalt  }
0x5f: {  	_ =	shalt  }
0x60: {  	_ =	shalt  }
0x61: {  	_ =	shalt  }
0x62: {  	_ =	shalt  }
0x63: {  	_ =	shalt  }
0x64: {  	_ =	shalt  }
0x65: {  	_ =	shalt  }
0x66: {  	_ =	shalt  }
0x67: {  	_ =	shalt  }
0x68: {  	_ =	shalt  }
0x69: {  	_ =	shalt  }
0x6a: {  	_ =	shalt  }
0x6b: {  	_ =	shalt  }
0x6c: {  	_ =	shalt  }
0x6d: {  	_ =	shalt  }
0x6e: {  	_ =	shalt  }
0x6f: {  	_ =	shalt  }
0x70: {  	_ =	shalt  }
0x71: {  	_ =	shalt  }
0x72: {  	_ =	shalt  }
0x73: {  	_ =	shalt  }
0x74: {  	_ =	shalt  }
0x75: {  	_ =	shalt  }
0x76: {  	_ =	shalt  }
0x77: {  	_ =	shalt  }
0x78: {  	_ =	shalt  }
0x79: {  	_ =	shalt  }
0x7a: {  	_ =	shalt  }
0x7b: {  	_ =	shalt  }
0x7c: {  	_ =	shalt  }
0x7d: {  	_ =	shalt  }
0x7e: {  	_ =	shalt  }
0x7f: {  	_ =	shalt  }
0x80: {  	_ =	shalt  }
0x81: {  	_ =	shalt  }
0x82: {  	_ =	shalt  }
0x83: {  	_ =	shalt  }
0x84: {  	_ =	shalt  }
0x85: {  	_ =	shalt  }
0x86: {  	_ =	shalt  }
0x87: {  	_ =	shalt  }
.Lfunc_end0:
.L_simem_size_0:
called_computation.1_lowered:
.L_overlay_start_0:
0x88: {  	s2 =	sld [smem:$0x3FD9]  }
0x89: {  	s3 =	sld [smem:$0x3FFE];
	_ =	sdelay $0x1  }
0x8a: {  	s1 =	srdreg.scid  }
0x8b: {  	s0 =	sand.u32 $0x1, s1  }
0x8c: {  	s14 =	sshll.u32 s0, $0xA;
	s2 =	sadd.s32 s3, s2  }
0x8d: {  	s2 =	sadd.s32 s2, s14  }
0x8e: {  	[smem:$0x3FBA] =	sst s2  }
0x8f: {  	_ = 	snop  }
0x90: {  	s2 =	sld [smem:$0x3FD0];
	_ =	sdelay $0x2  }
0x91: {  	s15 =	simm.s32 $0xA;
	s4 =	simm.s32 $0x10  }
0x92: {  	[smem:s4], [sflag:s15] =	dma.local [hbm:s2], $0x1  }
0x93: {  	_ =	swait.eq [sflag:s15], $0x1  }
0x94: {  	s16 =	sld [smem:$0x10];
	[sflag:s15] =	ssyncset.done $0x0  }
0x95: {  	s17 =	sld [smem:$0x11];
	[sflag:s15] =	ssyncadd.s32 $0xFFFFFFFF  }
0x96: {  	s18 =	sld [smem:$0x12];
	(tm) =	ssettm $0x1  }
0x97: {  	s5 =	sld [smem:$0x3FFB];
	_ =	sdelay $0x3  }
0x98: {  	_ =	strace s5  }
0x99: {  	s5 =	sld [smem:$0x3FFC];
	_ =	sdelay $0x3  }
0x9a: {  	_ =	strace s5  }
0x9b: {  	s5 =	sld [smem:$0x3FFD];
	_ =	sdelay $0x3  }
0x9c: {  	_ =	strace s5  }
0x9d: {  	_ =	strace $0x8FFFFFFF  }
0x9e: {  	s19 =	sld [smem:$0x3FDB];
	_ =	sdelay $0x1  }
0x9f: {  	s6 =	simm.s32 $_scs_section_size  }
0xa0: {  	s7 =	simm.s32 $_size__tile_overlayer_lowered;
	s8 =	simm.s32 $_tile_overlayer_lowered  }
0xa1: {  	s22 =	simm.s32 $0x1BFF;
	s21 =	sshll.u32 s8, $0x1;
	s5 =	sadd.s32 s6, s19  }
0xa2: {  	s9 =	simm.s32 $0x0;
	s20 =	sshll.u32 s7, $0x1;
	s7 =	sadd.s32 s21, s5  }
0xa3: {  	[timem:s9], [sflag:s22] =	dma.local [hbm:s7], s20  }
0xa4: {  	_ =	swait.ge [sflag:s22], s20  }
0xa5: {  	s6 =	ssub.s32 $0x0, s20;
	[sflag:s22] =	ssyncset.done $0x0  }
0xa6: {  	[sflag:s22] =	ssyncadd.s32 s6;
	_ =	sdelay $0x1  }
0xa7: {  	s23 =	simm.s32 $0x1B8B  }
0xa8: {  	_ =	swait.ge [sflag:s23], $0x1  }
0xa9: {  	[sflag:s23] =	ssyncset.done $0x0  }
0xaa: {  	s25 =	simm.s32 $0x1B8E;
	s24 =	sld [smem:$0x3FFE];
	[sflag:s23] =	ssyncadd.s32 $0xFFFFFFFF  }
0xab: {  	s26 =	simm.s32 $execute0_lowered;
	[smem:$0x3FD2] =	sst s25  }
0xac: {  	s7 =	sshll.u32 s26, $0x1;
	_ =	strace $0x80000049;
	[dreg:$0x1] =	wrdreg $0xFFFFFFFF  }
0xad: {  	s28 =	simm.s32 $_size_execute0_lowered;
	s5 =	sadd.s32 s5, s7;
	[dreg:$0x0] =	wrdreg $0x0  }
0xae: {  	s7 =	sshll.u32 s28, $0x1;
	[dreg:$0x2] =	wrdreg s5  }
0xaf: {  	[dreg:$0x3] =	wrdreg s7  }
0xb0: {  	[dreg:$0x4] =	wrdreg $0xC0  }
0xb1: {  	_ =	task [dreg:s9], $0x5FFFF  }
0xb2: {  	[dreg:$0x1] =	wrdreg $0xFFFFFFFF  }
0xb3: {  	[dreg:$0x0] =	wrdreg $0x60  }
0xb4: {  	[dreg:$0x2] =	wrdreg s18  }
0xb5: {  	[dreg:$0x3] =	wrdreg s24  }
0xb6: {  	[dreg:$0x4] =	wrdreg s17  }
0xb7: {  	[dreg:$0x5] =	wrdreg s16  }
0xb8: {  	[dreg:$0x6] =	wrdreg $0xA8000  }
0xb9: {  	[dreg:$0x7] =	wrdreg $0x9  }
0xba: {  	_ =	task.clear_ibuf [dreg:s9], $0x8FFFF;
	_ =	strace $0x90000049  }
0xbb: {  	s29 =	simm.s32 $0x9;
	_ =	strace $0x8000004B  }
0xbc: {  	_ =	swait.ge [sflag:s29], $0x1  }
0xbd: {  	[sflag:s29] =	ssyncadd.s32 $0xFFFFFFFF  }
0xbe: {  	_ =	strace $0x9000004B  }
0xbf: {  	_ =	sfence  }
0xc0: {  	s30 =	sld [smem:$0x0];
	_ =	sdelay $0x2  }
0xc1: {  	s31 =	sshll.u32 s1, $0xD;
	s1 =	sshrl.u32 s1, $0x2  }
0xc2: {  	s3 =	sand.u32 $0x4000, s31;
	s1 =	sadd.s32 s1, s30  }
0xc3: {  	s0 =	sor.u32 s3, s0;
	s1 =	sshll.u32 s1, $0x11  }
0xc4: {  	s0 =	sor.u32 s1, s0  }
0xc5: {  	s0 =	sadd.s32 $0x8F2B, s0  }
0xc6: {  	[sflag:s0] =	ssyncadd.remote.s32 $0x1  }
0xc7: {  	_ =	sfence.sel $0xFFFF  }
0xc8: {  	[dreg:$0x0] =	wrdreg $0xFFFFFFFF;
	(pc) =	sbr.abs _section_cstart, $3  }
0xc9: {  	[dreg:$0x1] =	wrdreg $0xFFFFFFFF  }
0xca: {  	_ =	task.clear_ibuf [dreg:s9], $0x2FFFF;
	_ =	strace $0x9FFFFFFF  }
0xcb: {  	(tm) =	ssettm $0x7FFFFFFF  }
tec
execute0_lowered:
.L_overlay_start_1:
0x0: {  	(tag) =	ssettag $0x1  }
0x1: {  	s1 =	rddreg [dreg:$0x0]  }
0x2: {  	s5 =	rddreg [dreg:$0x1]  }
0x3: {  	s8 =	rddreg [dreg:$0x2]  }
0x4: {  	s9 =	rddreg [dreg:$0x3]  }
0x5: {  	s2 =	rddreg [dreg:$0x4]  }
0x6: {  	s0 =	rddreg [dreg:$0x5]  }
0x7: {  	s4 =	simm.s32 $0x0;
	s6 =	srdreg.scid;
	s3 =	stileid.u32  }
0x8: {  	s17 =	simm.s32 $0x50;
	s18 =	simm.s32 $0x8000;
	s19 =	simm.s32 $0x1  }
0x9: {  	s20 =	simm.s32 $0x0;
	[smem:$0x7FF] =	sst s4;
	s11 =	smul.u32 $0x4E000, s3  }
0xa: {  	s6 =	sand.u32 $0x1, s6;
	s10 =	sshll.u32 s3, $0xB;
	s12 =	smul.u32 $0x2700, s3  }
0xb: {  	s29 =	smul.u32 $0x13800, s3;
	s15 =	sadd.s32 $0x124800, s2;
	p0 =	seq.s32 s3, $0xF  }
0xc: {  	_ =	strace $0x8000004A;
	s7 =	sshll.u32 s6, $0xF;
	s25 =	ssub.s32 $0x2, s6  }
0xd: {  	s13 =	smul.u32 $0x138800, s6;
	s7 =	sor.u32 s10, s7;
	s26 =	sshrl.u32 s25, $0x1  }
0xe: {  	s28 =	sshrl.u32 s11, $0x2;
	s7 =	sadd.s32 s7, s5;
	s14 =	ssub.s32 s25, s26  }
0xf: {  	s16 =	sadd.s32 s28, s2;
	s30 =	sadd.s32 s29, s13;
	s31 =	sshrl.u32 s13, $0x3  }
0x10: {  	s13 =	simm.s32 $0x4000;
	s5 =	sadd.s32 $0x34000, s7;
	s6 =	sadd.s32 $0x4000, s7  }
0x11: {  	s7 =	sadd.s32 s8, s12;
	s10 =	sshrl.u32 s30, $0x3;
	s11 =	sadd.s32 s9, s31  }
0x12: {  	s8 =	sadd.s32 $0x24900, s8;
	s9 =	sadd.s32 s9, s10;
	s10 =	sadd.s32 $0x24900, s11  }
0x13: {  	s11 =	smax.u32 s14, $0x1;
	s14 =	sshrl.u32 @p0 s15, $0x3;
	s15 =	sshll.u32 @!p0 s3, $0x6  }
0x14: {  	s12 =	simm.s32 $0x2;
	s16 =	sshrl.u32 @!p0 s16, $0x3;
	s15 =	sor.u32 @!p0 $0x1C02, s15  }
.LBB2_1:
0x15: {  	[tilespmem:s4], [sflag:$0x2] =	stream.linear.gather [hbm4b:s5+s4], $0x3E80, $0x38;
	[tilespmem:$0x1E080] =	vst v63  }
0x16: {  	_ =	swait.ge [sflag:s12], $0x3E80  }
0x17: {  	[sflag:s12] =	ssyncset.done $0x0  }
0x18: {  	[sflag:s12] =	ssyncadd.s32 $0xFFFFC180  }
0x19: {  	[tilespmem:s13], [sflag:$0x2] =	stream.linear.gather [hbm4b:s6+s4], $0x3E80, $0x38;
	[tilespmem:$0x1E080] =	vst v63  }
0x1a: {  	_ =	swait.ge [sflag:s12], $0x3E80  }
0x1b: {  	[sflag:s12] =	ssyncset.done $0x0  }
0x1c: {  	s21 =	simm.s32 @p0 $0x1FC2;
	[sflag:s12] =	ssyncadd.s32 $0xFFFFC180  }
0x1d: {  	[spmem:s14], [sflag:s21] =	dma.local @p0 [hbm:s8], $0x2800  }
0x1e: {  	s21 =	simm.s32 @p0 $0x2  }
0x1f: {  	_ =	swait.ge @p0 [sflag:s21], $0x2800  }
0x20: {  	[sflag:s21] =	ssyncset.done @p0 $0x0  }
0x21: {  	[sflag:s21] =	ssyncadd.s32 @p0 $0xFFFFD800;
	s21 =	simm.s32 @!p0 $0x2  }
0x22: {  	[spmem:s16], [sflag:s15] =	dma.local @!p0 [hbm:s7], $0x2700  }
0x23: {  	_ =	swait.ge @!p0 [sflag:s21], $0x2700  }
0x24: {  	[sflag:s21] =	ssyncset.done @!p0 $0x0  }
0x25: {  	[sflag:s21] =	ssyncadd.s32 @!p0 $0xFFFFD900  }
0x26: {  	s30 =	simm.s32 $0x0;
	[bflag:$0x0] =	sbarrier.arrive $0xFFFF  }
0x27: {  	[tilespmem:s18], [sflag:$0x1] =	stream.indirect.gather [hbm4b:s1+s17], $0x80, s30, s17, $0xb8;
	[tilespmem:$0x1E080] =	vst v63  }
0x28: {  	_ =	swait.ge [sflag:s19], $0x2800  }
0x29: {  	[sflag:s19] =	ssyncset.done $0x0  }
0x2a: {  	s31 =	simm.s32 $0x4000;
	[sflag:s19] =	ssyncadd.s32 $0xFFFFD800  }
0x2b: {  	[spmem:s2] =	stream.indirect.scatter.add.f32 [tilespmem:s18], [sflag:$0x2], $0x80, s31, s17, $0xb8;
	[tilespmem:$0x1E080] =	vst v63  }
0x2c: {  	_ =	swait.ge [sflag:s12], $0x2800  }
0x2d: {  	s22 =	simm.s32 $0x400;
	s21 =	simm.s32 $0x200;
	[sflag:s12] =	ssyncset.done $0x0  }
.LBB2_2:
0x2e: {  	s23 =	sshra.s32 s21, $0x2  }
0x2f: {  	[sflag:s12] =	ssyncadd.s32 $0xFFFFD800;
	s21 =	smov.u32 s22;
	s24 =	sadd.s32 $0x200, s22  }
0x30: {  	[tilespmem:s18], [sflag:$0x1] =	stream.indirect.gather [hbm4b:s1+s17], $0x80, s23, s17, $0xb8;
	[tilespmem:$0x1E080] =	vst v63  }
0x31: {  	p1 =	sne.s32 s22, $0xF800;
	_ =	swait.ge [sflag:s19], $0x2800  }
.Ltmp0:
0x32: {  	[sflag:s19] =	ssyncset.done $0x0;
	(pc) =	sbr.rel @p1 .LBB2_2-.Ltmp0, $4  }
0x33: {  	s22 =	sadd.s32 $0x4000, s23;
	[sflag:s19] =	ssyncadd.s32 $0xFFFFD800  }
0x34: {  	[spmem:s2] =	stream.indirect.scatter.add.f32 [tilespmem:s18], [sflag:$0x2], $0x80, s22, s17, $0xb8;
	[tilespmem:$0x1E080] =	vst v63  }
0x35: {  	_ =	swait.ge [sflag:s12], $0x2800  }
0x36: {  	s22 =	smov.u32 s24;
	[sflag:s12] =	ssyncset.done $0x0  }
0x37: {  	s21 =	sshra.s32 s21, $0x2;
	[sflag:s12] =	ssyncadd.s32 $0xFFFFD800  }
0x38: {  	[tilespmem:s18], [sflag:$0x1] =	stream.indirect.gather [hbm4b:s1+s17], $0x80, s21, s17, $0xb8;
	[tilespmem:$0x1E080] =	vst v63  }
0x39: {  	_ =	swait.ge [sflag:s19], $0x2800  }
0x3a: {  	[sflag:s19] =	ssyncset.done $0x0  }
0x3b: {  	s21 =	sadd.s32 $0x4000, s21;
	[sflag:s19] =	ssyncadd.s32 $0xFFFFD800  }
0x3c: {  	[spmem:s2] =	stream.indirect.scatter.add.f32 [tilespmem:s18], [sflag:$0x2], $0x80, s21, s17, $0xb8;
	[tilespmem:$0x1E080] =	vst v63  }
0x3d: {  	_ =	swait.ge [sflag:s12], $0x2800  }
0x3e: {  	[sflag:s12] =	ssyncset.done $0x0  }
0x3f: {  	[sflag:s12] =	ssyncadd.s32 $0xFFFFD800  }
0x40: {  	s21 =	simm.s32 @p0 $0x1FC2;
	[bflag:$0x0] =	sbarrier.arrive $0xFFFF  }
0x41: {  	[hbm:s10], [sflag:s21] =	dma.local @p0 [spmem:s14], $0x2800  }
0x42: {  	s21 =	simm.s32 @p0 $0x2  }
0x43: {  	s20 =	sadd.s32 $0x1, s20;
	_ =	swait.ge @p0 [sflag:s21], $0x2800  }
0x44: {  	p1 =	sne.s32 s20, s11;
	[sflag:s21] =	ssyncset.done @p0 $0x0  }
.Ltmp1:
0x45: {  	[sflag:s21] =	ssyncadd.s32 @p0 $0xFFFFD800;
	s21 =	simm.s32 @!p0 $0x2;
	(pc) =	sbr.rel @p1 .LBB2_1-.Ltmp1, $4  }
0x46: {  	[hbm:s9], [sflag:s15] =	dma.local @!p0 [spmem:s16], $0x2700  }
0x47: {  	_ =	swait.ge @!p0 [sflag:s21], $0x2700  }
0x48: {  	[sflag:s21] =	ssyncset.done @!p0 $0x0  }
0x49: {  	[sflag:s21] =	ssyncadd.s32 @!p0 $0xFFFFD900  }
0x4a: {  	_ =	sfence.sel $0x180000  }
0x4b: {  	[bflag:$0x0] =	sbarrier.arrive $0xFFFF  }
0x4c: {  	p0 =	sne.s32 s3, $0x0;
	_ =	strace $0x9000004A  }
0x4d: {  	s0 =	sadd.s32 @!p0 $0x100000, s0;
	[bflag:$0x2] =	sbarrier.arrive $0xFFFF  }
0x4e: {  	[sflag:s0] =	ssyncadd.tile.s32 @!p0 $0x1;
	_ =	shalt  }
.Lfunc_end2:
_tile_overlayer_lowered:
.L_overlay_start_2:
0x4f: {  	(tag) =	ssettag $0x2  }
0x50: {  	s0 =	rddreg [dreg:$0x0];
	s2 =	stileid.u32  }
0x51: {  	s1 =	rddreg [dreg:$0x1];
	p0 =	sne.s32 s2, $0x0  }
0x52: {  	s3 =	rddreg [dreg:$0x2];
	[bflag:$0x3] =	sbarrier.arrive $0xFFFF;
	s2 =	simm.s32 @!p0 $0x1C02  }
0x53: {  	[timem:s3], [sflag:s2] =	dma.local @!p0 [hbm:s0], s1  }
0x54: {  	s0 =	simm.s32 @!p0 $0x2  }
0x55: {  	_ =	swait.ge @!p0 [sflag:s0], s1  }
0x56: {  	s1 =	ssub.s32 @!p0 $0x0, s1;
	[sflag:s0] =	ssyncset.done @!p0 $0x0  }
0x57: {  	[sflag:s0] =	ssyncadd.s32 @!p0 s1  }
0x58: {  	[bflag:$0x3] =	sbarrier.arrive $0xFFFF  }
0x59: {  	_ =	shalt  }

// kernel: kernel.16.cloned.1.call-start
scs
__scs_entry_jumppad:
0x0: {  	(pc) =	sbr.rel $0x88, $3  }
0x1: {  	(tag) =	ssettag $0x0;
	lr =	simm.s32 $0x1  }
0x2: {  	[smem:$0x3F93] =	sst lr;
	_ =	strace $0xD0000000  }
0x3: {  	_ = 	snop  }
0x4: {  	_ = 	snop  }
0x5: {  	_ = 	snop  }
0x6: {  	_ = 	snop  }
0x7: {  	_ = 	snop  }
__scs_overlays_trampoline_lowered:
0x8: {  	[smem:$0x3FA2] =	sst s0  }
0x9: {  	[smem:$0x3FA3] =	sst s1  }
0xa: {  	[smem:$0x3FA4] =	sst s2  }
0xb: {  	[smem:$0x3FA5] =	sst s3  }
0xc: {  	[smem:$0x3FA6] =	sst s4  }
0xd: {  	[smem:$0x3FA7] =	sst s5  }
0xe: {  	[smem:$0x3FA8] =	sst s6  }
0xf: {  	[smem:$0x3FA9] =	sst s7  }
0x10: {  	[smem:$0x3FAA] =	sst s8  }
0x11: {  	[smem:$0x3FAB] =	sst s9;
	s0 =	simm.s32 @!p0 $0x0  }
0x12: {  	s1 =	sld [smem:$0x3F91];
	s0 =	simm.s32 @p0 $0x1  }
0x13: {  	[smem:$0x3FAC] =	sst s0;
	s0 =	simm.s32 @!p1 $0x0  }
0x14: {  	s2 =	sld [smem:$0x3F90];
	s0 =	simm.s32 @p1 $0x1  }
0x15: {  	[smem:$0x3FAD] =	sst s0;
	s0 =	simm.s32 @!p2 $0x0  }
0x16: {  	s3 =	sld [smem:$0x3FDB];
	s0 =	simm.s32 @p2 $0x1  }
0x17: {  	s4 =	simm.s32 $0x1BF5;
	[smem:$0x3FAF] =	sst s0  }
0x18: {  	s0 =	sld [smem:$0x3F92];
	_ =	swait.ge [sflag:s4], $0x0  }
0x19: {  	s7 =	sld [smem:$0x3F93]  }
0x1a: {  	s8 =	sadd.s32 $0xFFFFE003, lr  }
0x1b: {  	s9 =	sadd.s32 $0xFFFFFEF7, lr;
	s5 =	simm.s32 $0xFFFFFFFF;
	p2 =	slt.u32 s8, $0xFFFFF086  }
0x1c: {  	p1 =	slt.u32 s9, $0xF7A;
	s5 =	simm.s32 @!p2 $0x0  }
0x1d: {  	s5 =	simm.s32 @p1 $0x1;
	p0 =	seq.s32 s7, s2  }
0x1e: {  	s7 =	smul.u32 @!p0 $0xF7A, s2;
	p2 =	seq.s32 @!p0 s5, $0x0  }
0x1f: {  	s9 =	smul.u32 $0xF7A, s1;
	s8 =	simm.s32 @!p0 $0x1BF5;
	p2 =	por !p2, p0  }
0x20: {  	[sflag:s8] =	ssyncset.s32 @!p0 $0xFFFFF086;
	s6 =	sadd.s32 @!p0 s3, s7;
	s7 =	simm.s32 @!p0 $0x108  }
0x21: {  	s3 =	sadd.s32 s3, s9;
	s6 =	sadd.s32 @!p0 $0x88, s6;
	s7 =	simm.s32 @p2 $0x1082  }
0x22: {  	[simem:s7], [sflag:s8] =	dma.local @!p0 [hbm:s6], $0xF7A  }
0x23: {  	s9 =	sor.u32 $0xD0000000, s2;
	s6 =	simm.s32 $0x108;
	_ =	swait.ge @!p0 [sflag:s8], $0x0  }
0x24: {  	s3 =	sadd.s32 $0x88, s3;
	s6 =	simm.s32 @!p1 $0x1082;
	[sflag:s4] =	ssyncset.s32 $0xFFFFF086  }
0x25: {  	[simem:s6], [sflag:s4] =	dma.local [hbm:s3], $0xF7A  }
0x26: {  	[smem:$0x3F93] =	sst s1;
	(tag) =	ssettag s2;
	_ =	strace s9  }
0x27: {  	s1 =	sld [smem:$0x3FA3]  }
0x28: {  	s2 =	sld [smem:$0x3FA4]  }
0x29: {  	s4 =	sld [smem:$0x3FA6]  }
0x2a: {  	p0 =	seq.s32 s5, $0x0;
	s5 =	sld [smem:$0x3FA7]  }
0x2b: {  	s6 =	sld [smem:$0x3FA8]  }
0x2c: {  	s7 =	sld [smem:$0x3FA9]  }
0x2d: {  	s3 =	simm.s32 $0x108;
	s8 =	sld [smem:$0x3FAA]  }
0x2e: {  	s3 =	simm.s32 @!p0 $0x1082;
	s9 =	sld [smem:$0x3FAB]  }
0x2f: {  	lr =	sadd.s32 s0, s3;
	s0 =	sld [smem:$0x3FA2]  }
0x30: {  	s3 =	sld [smem:$0x3FA5]  }
0x31: {  	[smem:$0x3FAE] =	sst s10  }
0x32: {  	s10 =	sld [smem:$0x3FAC];
	_ =	sdelay $0x3  }
0x33: {  	p0 =	seq.s32 s10, $0x1;
	s10 =	sld [smem:$0x3FAE];
	_ =	sdelay $0x3  }
0x34: {  	[smem:$0x3FAE] =	sst s10  }
0x35: {  	s10 =	sld [smem:$0x3FAD];
	_ =	sdelay $0x3  }
0x36: {  	p1 =	seq.s32 s10, $0x1;
	s10 =	sld [smem:$0x3FAE];
	_ =	sdelay $0x3  }
0x37: {  	[smem:$0x3FAE] =	sst s10  }
0x38: {  	s10 =	sld [smem:$0x3FAF]  }
0x39: {  	_ = 	snop;
	(pc) =	sbr.ind lr, $3  }
0x3a: {  	_ = 	snop  }
0x3b: {  	_ = 	snop  }
0x3c: {  	p2 =	seq.s32 s10, $0x1;
	s10 =	sld [smem:$0x3FAE]  }
0x3d: {  	_ =	shalt  }
0x3e: {  	_ =	shalt  }
0x3f: {  	_ =	shalt  }
0x40: {  	_ =	shalt  }
0x41: {  	_ =	shalt  }
0x42: {  	_ =	shalt  }
0x43: {  	_ =	shalt  }
0x44: {  	_ =	shalt  }
0x45: {  	_ =	shalt  }
0x46: {  	_ =	shalt  }
0x47: {  	_ =	shalt  }
0x48: {  	_ =	shalt  }
0x49: {  	_ =	shalt  }
0x4a: {  	_ =	shalt  }
0x4b: {  	_ =	shalt  }
0x4c: {  	_ =	shalt  }
0x4d: {  	_ =	shalt  }
0x4e: {  	_ =	shalt  }
0x4f: {  	_ =	shalt  }
0x50: {  	_ =	shalt  }
0x51: {  	_ =	shalt  }
0x52: {  	_ =	shalt  }
0x53: {  	_ =	shalt  }
0x54: {  	_ =	shalt  }
0x55: {  	_ =	shalt  }
0x56: {  	_ =	shalt  }
0x57: {  	_ =	shalt  }
0x58: {  	_ =	shalt  }
0x59: {  	_ =	shalt  }
0x5a: {  	_ =	shalt  }
0x5b: {  	_ =	shalt  }
0x5c: {  	_ =	shalt  }
0x5d: {  	_ =	shalt  }
0x5e: {  	_ =	shalt  }
0x5f: {  	_ =	shalt  }
0x60: {  	_ =	shalt  }
0x61: {  	_ =	shalt  }
0x62: {  	_ =	shalt  }
0x63: {  	_ =	shalt  }
0x64: {  	_ =	shalt  }
0x65: {  	_ =	shalt  }
0x66: {  	_ =	shalt  }
0x67: {  	_ =	shalt  }
0x68: {  	_ =	shalt  }
0x69: {  	_ =	shalt  }
0x6a: {  	_ =	shalt  }
0x6b: {  	_ =	shalt  }
0x6c: {  	_ =	shalt  }
0x6d: {  	_ =	shalt  }
0x6e: {  	_ =	shalt  }
0x6f: {  	_ =	shalt  }
0x70: {  	_ =	shalt  }
0x71: {  	_ =	shalt  }
0x72: {  	_ =	shalt  }
0x73: {  	_ =	shalt  }
0x74: {  	_ =	shalt  }
0x75: {  	_ =	shalt  }
0x76: {  	_ =	shalt  }
0x77: {  	_ =	shalt  }
0x78: {  	_ =	shalt  }
0x79: {  	_ =	shalt  }
0x7a: {  	_ =	shalt  }
0x7b: {  	_ =	shalt  }
0x7c: {  	_ =	shalt  }
0x7d: {  	_ =	shalt  }
0x7e: {  	_ =	shalt  }
0x7f: {  	_ =	shalt  }
0x80: {  	_ =	shalt  }
0x81: {  	_ =	shalt  }
0x82: {  	_ =	shalt  }
0x83: {  	_ =	shalt  }
0x84: {  	_ =	shalt  }
0x85: {  	_ =	shalt  }
0x86: {  	_ =	shalt  }
0x87: {  	_ =	shalt  }
.Lfunc_end0:
.L_simem_size_0:
called_computation.2_lowered:
.L_overlay_start_0:
0x88: {  	s2 =	sld [smem:$0x3FD9]  }
0x89: {  	s3 =	sld [smem:$0x3FFE];
	_ =	sdelay $0x1  }
0x8a: {  	s1 =	srdreg.scid  }
0x8b: {  	s0 =	sand.u32 $0x1, s1  }
0x8c: {  	s14 =	sshll.u32 s0, $0xA;
	s2 =	sadd.s32 s3, s2  }
0x8d: {  	s2 =	sadd.s32 s2, s14  }
0x8e: {  	[smem:$0x3FBA] =	sst s2  }
0x8f: {  	_ = 	snop  }
0x90: {  	s2 =	sld [smem:$0x3FD0];
	_ =	sdelay $0x2  }
0x91: {  	s15 =	simm.s32 $0xA;
	s4 =	simm.s32 $0x10  }
0x92: {  	[smem:s4], [sflag:s15] =	dma.local [hbm:s2], $0x1  }
0x93: {  	_ =	swait.eq [sflag:s15], $0x1  }
0x94: {  	s16 =	sld [smem:$0x10];
	[sflag:s15] =	ssyncset.done $0x0  }
0x95: {  	s17 =	sld [smem:$0x11];
	[sflag:s15] =	ssyncadd.s32 $0xFFFFFFFF  }
0x96: {  	s18 =	sld [smem:$0x13];
	(tm) =	ssettm $0x1  }
0x97: {  	s5 =	sld [smem:$0x3FFB];
	_ =	sdelay $0x3  }
0x98: {  	_ =	strace s5  }
0x99: {  	s5 =	sld [smem:$0x3FFC];
	_ =	sdelay $0x3  }
0x9a: {  	_ =	strace s5  }
0x9b: {  	s5 =	sld [smem:$0x3FFD];
	_ =	sdelay $0x3  }
0x9c: {  	_ =	strace s5  }
0x9d: {  	_ =	strace $0x8FFFFFFF  }
0x9e: {  	s19 =	sld [smem:$0x3FDB];
	_ =	sdelay $0x1  }
0x9f: {  	s6 =	simm.s32 $_scs_section_size  }
0xa0: {  	s7 =	simm.s32 $_size__tile_overlayer_lowered;
	s8 =	simm.s32 $_tile_overlayer_lowered  }
0xa1: {  	s22 =	simm.s32 $0x1BFF;
	s21 =	sshll.u32 s8, $0x1;
	s5 =	sadd.s32 s6, s19  }
0xa2: {  	s9 =	simm.s32 $0x0;
	s20 =	sshll.u32 s7, $0x1;
	s7 =	sadd.s32 s21, s5  }
0xa3: {  	[timem:s9], [sflag:s22] =	dma.local [hbm:s7], s20  }
0xa4: {  	_ =	swait.ge [sflag:s22], s20  }
0xa5: {  	s6 =	ssub.s32 $0x0, s20;
	[sflag:s22] =	ssyncset.done $0x0  }
0xa6: {  	[sflag:s22] =	ssyncadd.s32 s6;
	_ =	sdelay $0x1  }
0xa7: {  	s23 =	simm.s32 $0x1B8B  }
0xa8: {  	_ =	swait.ge [sflag:s23], $0x1  }
0xa9: {  	[sflag:s23] =	ssyncset.done $0x0  }
0xaa: {  	s25 =	simm.s32 $0x1B8E;
	s24 =	sld [smem:$0x3FFE];
	[sflag:s23] =	ssyncadd.s32 $0xFFFFFFFF  }
0xab: {  	s26 =	simm.s32 $execute0_lowered;
	[smem:$0x3FD2] =	sst s25  }
0xac: {  	s7 =	sshll.u32 s26, $0x1;
	_ =	strace $0x8000004C;
	[dreg:$0x1] =	wrdreg $0xFFFFFFFF  }
0xad: {  	s28 =	simm.s32 $_size_execute0_lowered;
	s5 =	sadd.s32 s5, s7;
	[dreg:$0x0] =	wrdreg $0x0  }
0xae: {  	s7 =	sshll.u32 s28, $0x1;
	[dreg:$0x2] =	wrdreg s5  }
0xaf: {  	[dreg:$0x3] =	wrdreg s7  }
0xb0: {  	[dreg:$0x4] =	wrdreg $0xC0  }
0xb1: {  	_ =	task [dreg:s9], $0x5FFFF  }
0xb2: {  	[dreg:$0x1] =	wrdreg $0xFFFFFFFF  }
0xb3: {  	[dreg:$0x0] =	wrdreg $0x60  }
0xb4: {  	[dreg:$0x2] =	wrdreg s18  }
0xb5: {  	[dreg:$0x3] =	wrdreg s24  }
0xb6: {  	[dreg:$0x4] =	wrdreg s17  }
0xb7: {  	[dreg:$0x5] =	wrdreg s16  }
0xb8: {  	[dreg:$0x6] =	wrdreg $0xA8000  }
0xb9: {  	[dreg:$0x7] =	wrdreg $0x9  }
0xba: {  	_ =	task.clear_ibuf [dreg:s9], $0x8FFFF;
	_ =	strace $0x9000004C  }
0xbb: {  	s29 =	simm.s32 $0x9;
	_ =	strace $0x8000004E  }
0xbc: {  	_ =	swait.ge [sflag:s29], $0x1  }
0xbd: {  	[sflag:s29] =	ssyncadd.s32 $0xFFFFFFFF  }
0xbe: {  	_ =	strace $0x9000004E  }
0xbf: {  	_ =	sfence  }
0xc0: {  	s30 =	sld [smem:$0x0];
	_ =	sdelay $0x2  }
0xc1: {  	s31 =	sshll.u32 s1, $0xD;
	s1 =	sshrl.u32 s1, $0x2  }
0xc2: {  	s3 =	sand.u32 $0x4000, s31;
	s1 =	sadd.s32 s1, s30  }
0xc3: {  	s0 =	sor.u32 s3, s0;
	s1 =	sshll.u32 s1, $0x11  }
0xc4: {  	s0 =	sor.u32 s1, s0  }
0xc5: {  	s0 =	sadd.s32 $0x8F2B, s0  }
0xc6: {  	[sflag:s0] =	ssyncadd.remote.s32 $0x1  }
0xc7: {  	_ =	sfence.sel $0xFFFF  }
0xc8: {  	[dreg:$0x0] =	wrdreg $0xFFFFFFFF;
	(pc) =	sbr.abs _section_cstart, $3  }
0xc9: {  	[dreg:$0x1] =	wrdreg $0xFFFFFFFF  }
0xca: {  	_ =	task.clear_ibuf [dreg:s9], $0x2FFFF;
	_ =	strace $0x9FFFFFFF  }
0xcb: {  	(tm) =	ssettm $0x7FFFFFFF  }
tec
execute0_lowered:
.L_overlay_start_1:
0x0: {  	(tag) =	ssettag $0x1  }
0x1: {  	s1 =	rddreg [dreg:$0x0]  }
0x2: {  	s5 =	rddreg [dreg:$0x1]  }
0x3: {  	s8 =	rddreg [dreg:$0x2]  }
0x4: {  	s9 =	rddreg [dreg:$0x3]  }
0x5: {  	s2 =	rddreg [dreg:$0x4]  }
0x6: {  	s0 =	rddreg [dreg:$0x5]  }
0x7: {  	s4 =	simm.s32 $0x0;
	s6 =	srdreg.scid;
	s3 =	stileid.u32  }
0x8: {  	s17 =	simm.s32 $0x50;
	s18 =	simm.s32 $0x8000;
	s19 =	simm.s32 $0x1  }
0x9: {  	s20 =	simm.s32 $0x0;
	[smem:$0x7FF] =	sst s4;
	s11 =	smul.u32 $0x27000, s3  }
0xa: {  	s6 =	sand.u32 $0x1, s6;
	s10 =	sshll.u32 s3, $0xB;
	s12 =	smul.u32 $0x1380, s3  }
0xb: {  	s29 =	smul.u32 $0x9C00, s3;
	s15 =	sadd.s32 $0x92400, s2;
	p0 =	seq.s32 s3, $0xF  }
0xc: {  	_ =	strace $0x8000004D;
	s7 =	sshll.u32 s6, $0xF;
	s25 =	ssub.s32 $0x2, s6  }
0xd: {  	s13 =	smul.u32 $0x9C400, s6;
	s7 =	sor.u32 s10, s7;
	s26 =	sshrl.u32 s25, $0x1  }
0xe: {  	s28 =	sshrl.u32 s11, $0x2;
	s7 =	sadd.s32 s7, s5;
	s14 =	ssub.s32 s25, s26  }
0xf: {  	s16 =	sadd.s32 s28, s2;
	s30 =	sadd.s32 s29, s13;
	s31 =	sshrl.u32 s13, $0x3  }
0x10: {  	s13 =	simm.s32 $0x4000;
	s5 =	sadd.s32 $0x14000, s7;
	s6 =	sadd.s32 $0x24000, s7  }
0x11: {  	s7 =	sadd.s32 s8, s12;
	s10 =	sshrl.u32 s30, $0x3;
	s11 =	sadd.s32 s9, s31  }
0x12: {  	s8 =	sadd.s32 $0x12480, s8;
	s9 =	sadd.s32 s9, s10;
	s10 =	sadd.s32 $0x12480, s11  }
0x13: {  	s11 =	smax.u32 s14, $0x1;
	s14 =	sshrl.u32 @p0 s15, $0x3;
	s15 =	sshll.u32 @!p0 s3, $0x6  }
0x14: {  	s12 =	simm.s32 $0x2;
	s16 =	sshrl.u32 @!p0 s16, $0x3;
	s15 =	sor.u32 @!p0 $0x1C02, s15  }
.LBB2_1:
0x15: {  	[tilespmem:s4], [sflag:$0x2] =	stream.linear.gather [hbm4b:s5+s4], $0x3E80, $0x38;
	[tilespmem:$0x14440] =	vst v63  }
0x16: {  	_ =	swait.ge [sflag:s12], $0x3E80  }
0x17: {  	[sflag:s12] =	ssyncset.done $0x0  }
0x18: {  	[sflag:s12] =	ssyncadd.s32 $0xFFFFC180  }
0x19: {  	[tilespmem:s13], [sflag:$0x2] =	stream.linear.gather [hbm4b:s6+s4], $0x3E80, $0x38;
	[tilespmem:$0x14440] =	vst v63  }
0x1a: {  	_ =	swait.ge [sflag:s12], $0x3E80  }
0x1b: {  	[sflag:s12] =	ssyncset.done $0x0  }
0x1c: {  	s21 =	simm.s32 @p0 $0x1FC2;
	[sflag:s12] =	ssyncadd.s32 $0xFFFFC180  }
0x1d: {  	[spmem:s14], [sflag:s21] =	dma.local @p0 [hbm:s8], $0x1400  }
0x1e: {  	s21 =	simm.s32 @p0 $0x2  }
0x1f: {  	_ =	swait.ge @p0 [sflag:s21], $0x1400  }
0x20: {  	[sflag:s21] =	ssyncset.done @p0 $0x0  }
0x21: {  	[sflag:s21] =	ssyncadd.s32 @p0 $0xFFFFEC00;
	s21 =	simm.s32 @!p0 $0x2  }
0x22: {  	[spmem:s16], [sflag:s15] =	dma.local @!p0 [hbm:s7], $0x1380  }
0x23: {  	_ =	swait.ge @!p0 [sflag:s21], $0x1380  }
0x24: {  	[sflag:s21] =	ssyncset.done @!p0 $0x0  }
0x25: {  	[sflag:s21] =	ssyncadd.s32 @!p0 $0xFFFFEC80  }
0x26: {  	s30 =	simm.s32 $0x0;
	[bflag:$0x0] =	sbarrier.arrive $0xFFFF  }
0x27: {  	[tilespmem:s18], [sflag:$0x1] =	stream.indirect.gather [hbm4b:s1+s17], $0x80, s30, s17, $0xb8;
	[tilespmem:$0x14440] =	vst v63  }
0x28: {  	_ =	swait.ge [sflag:s19], $0x2800  }
0x29: {  	[sflag:s19] =	ssyncset.done $0x0  }
0x2a: {  	s31 =	simm.s32 $0x4000;
	[sflag:s19] =	ssyncadd.s32 $0xFFFFD800  }
0x2b: {  	[spmem:s2] =	stream.indirect.scatter.add.f32 [tilespmem:s18], [sflag:$0x2], $0x80, s31, s17, $0xb8;
	[tilespmem:$0x14440] =	vst v63  }
0x2c: {  	_ =	swait.ge [sflag:s12], $0x2800  }
0x2d: {  	s22 =	simm.s32 $0x400;
	s21 =	simm.s32 $0x200;
	[sflag:s12] =	ssyncset.done $0x0  }
.LBB2_2:
0x2e: {  	s23 =	sshra.s32 s21, $0x2  }
0x2f: {  	[sflag:s12] =	ssyncadd.s32 $0xFFFFD800;
	s21 =	smov.u32 s22;
	s24 =	sadd.s32 $0x200, s22  }
0x30: {  	[tilespmem:s18], [sflag:$0x1] =	stream.indirect.gather [hbm4b:s1+s17], $0x80, s23, s17, $0xb8;
	[tilespmem:$0x14440] =	vst v63  }
0x31: {  	p1 =	sne.s32 s22, $0xF800;
	_ =	swait.ge [sflag:s19], $0x2800  }
.Ltmp0:
0x32: {  	[sflag:s19] =	ssyncset.done $0x0;
	(pc) =	sbr.rel @p1 .LBB2_2-.Ltmp0, $4  }
0x33: {  	s22 =	sadd.s32 $0x4000, s23;
	[sflag:s19] =	ssyncadd.s32 $0xFFFFD800  }
0x34: {  	[spmem:s2] =	stream.indirect.scatter.add.f32 [tilespmem:s18], [sflag:$0x2], $0x80, s22, s17, $0xb8;
	[tilespmem:$0x14440] =	vst v63  }
0x35: {  	_ =	swait.ge [sflag:s12], $0x2800  }
0x36: {  	s22 =	smov.u32 s24;
	[sflag:s12] =	ssyncset.done $0x0  }
0x37: {  	s21 =	sshra.s32 s21, $0x2;
	[sflag:s12] =	ssyncadd.s32 $0xFFFFD800  }
0x38: {  	[tilespmem:s18], [sflag:$0x1] =	stream.indirect.gather [hbm4b:s1+s17], $0x80, s21, s17, $0xb8;
	[tilespmem:$0x14440] =	vst v63  }
0x39: {  	_ =	swait.ge [sflag:s19], $0x2800  }
0x3a: {  	[sflag:s19] =	ssyncset.done $0x0  }
0x3b: {  	s21 =	sadd.s32 $0x4000, s21;
	[sflag:s19] =	ssyncadd.s32 $0xFFFFD800  }
0x3c: {  	[spmem:s2] =	stream.indirect.scatter.add.f32 [tilespmem:s18], [sflag:$0x2], $0x80, s21, s17, $0xb8;
	[tilespmem:$0x14440] =	vst v63  }
0x3d: {  	_ =	swait.ge [sflag:s12], $0x2800  }
0x3e: {  	[sflag:s12] =	ssyncset.done $0x0  }
0x3f: {  	[sflag:s12] =	ssyncadd.s32 $0xFFFFD800  }
0x40: {  	s21 =	simm.s32 @p0 $0x1FC2;
	[bflag:$0x0] =	sbarrier.arrive $0xFFFF  }
0x41: {  	[hbm:s10], [sflag:s21] =	dma.local @p0 [spmem:s14], $0x1400  }
0x42: {  	s21 =	simm.s32 @p0 $0x2  }
0x43: {  	s20 =	sadd.s32 $0x1, s20;
	_ =	swait.ge @p0 [sflag:s21], $0x1400  }
0x44: {  	p1 =	sne.s32 s20, s11;
	[sflag:s21] =	ssyncset.done @p0 $0x0  }
.Ltmp1:
0x45: {  	[sflag:s21] =	ssyncadd.s32 @p0 $0xFFFFEC00;
	s21 =	simm.s32 @!p0 $0x2;
	(pc) =	sbr.rel @p1 .LBB2_1-.Ltmp1, $4  }
0x46: {  	[hbm:s9], [sflag:s15] =	dma.local @!p0 [spmem:s16], $0x1380  }
0x47: {  	_ =	swait.ge @!p0 [sflag:s21], $0x1380  }
0x48: {  	[sflag:s21] =	ssyncset.done @!p0 $0x0  }
0x49: {  	[sflag:s21] =	ssyncadd.s32 @!p0 $0xFFFFEC80  }
0x4a: {  	_ =	sfence.sel $0x180000  }
0x4b: {  	[bflag:$0x0] =	sbarrier.arrive $0xFFFF  }
0x4c: {  	p0 =	sne.s32 s3, $0x0;
	_ =	strace $0x9000004D  }
0x4d: {  	s0 =	sadd.s32 @!p0 $0x100000, s0;
	[bflag:$0x2] =	sbarrier.arrive $0xFFFF  }
0x4e: {  	[sflag:s0] =	ssyncadd.tile.s32 @!p0 $0x1;
	_ =	shalt  }
.Lfunc_end2:
_tile_overlayer_lowered:
.L_overlay_start_2:
0x4f: {  	(tag) =	ssettag $0x2  }
0x50: {  	s0 =	rddreg [dreg:$0x0];
	s2 =	stileid.u32  }
0x51: {  	s1 =	rddreg [dreg:$0x1];
	p0 =	sne.s32 s2, $0x0  }
0x52: {  	s3 =	rddreg [dreg:$0x2];
	[bflag:$0x3] =	sbarrier.arrive $0xFFFF;
	s2 =	simm.s32 @!p0 $0x1C02  }
0x53: {  	[timem:s3], [sflag:s2] =	dma.local @!p0 [hbm:s0], s1  }
0x54: {  	s0 =	simm.s32 @!p0 $0x2  }
0x55: {  	_ =	swait.ge @!p0 [sflag:s0], s1  }
0x56: {  	s1 =	ssub.s32 @!p0 $0x0, s1;
	[sflag:s0] =	ssyncset.done @!p0 $0x0  }
0x57: {  	[sflag:s0] =	ssyncadd.s32 @!p0 s1  }
0x58: {  	[bflag:$0x3] =	sbarrier.arrive $0xFFFF  }
0x59: {  	_ =	shalt  }

// kernel: kernel.19.cloned.1.call-start
scs
__scs_entry_jumppad:
0x0: {  	(pc) =	sbr.rel $0x88, $3  }
0x1: {  	(tag) =	ssettag $0x0;
	lr =	simm.s32 $0x1  }
0x2: {  	[smem:$0x3F93] =	sst lr;
	_ =	strace $0xD0000000  }
0x3: {  	_ = 	snop  }
0x4: {  	_ = 	snop  }
0x5: {  	_ = 	snop  }
0x6: {  	_ = 	snop  }
0x7: {  	_ = 	snop  }
__scs_overlays_trampoline_lowered:
0x8: {  	[smem:$0x3FA2] =	sst s0  }
0x9: {  	[smem:$0x3FA3] =	sst s1  }
0xa: {  	[smem:$0x3FA4] =	sst s2  }
0xb: {  	[smem:$0x3FA5] =	sst s3  }
0xc: {  	[smem:$0x3FA6] =	sst s4  }
0xd: {  	[smem:$0x3FA7] =	sst s5  }
0xe: {  	[smem:$0x3FA8] =	sst s6  }
0xf: {  	[smem:$0x3FA9] =	sst s7  }
0x10: {  	[smem:$0x3FAA] =	sst s8  }
0x11: {  	[smem:$0x3FAB] =	sst s9;
	s0 =	simm.s32 @!p0 $0x0  }
0x12: {  	s1 =	sld [smem:$0x3F91];
	s0 =	simm.s32 @p0 $0x1  }
0x13: {  	[smem:$0x3FAC] =	sst s0;
	s0 =	simm.s32 @!p1 $0x0  }
0x14: {  	s2 =	sld [smem:$0x3F90];
	s0 =	simm.s32 @p1 $0x1  }
0x15: {  	[smem:$0x3FAD] =	sst s0;
	s0 =	simm.s32 @!p2 $0x0  }
0x16: {  	s3 =	sld [smem:$0x3FDB];
	s0 =	simm.s32 @p2 $0x1  }
0x17: {  	s4 =	simm.s32 $0x1BF5;
	[smem:$0x3FAF] =	sst s0  }
0x18: {  	s0 =	sld [smem:$0x3F92];
	_ =	swait.ge [sflag:s4], $0x0  }
0x19: {  	s7 =	sld [smem:$0x3F93]  }
0x1a: {  	s8 =	sadd.s32 $0xFFFFE003, lr  }
0x1b: {  	s9 =	sadd.s32 $0xFFFFFEF7, lr;
	s5 =	simm.s32 $0xFFFFFFFF;
	p2 =	slt.u32 s8, $0xFFFFF086  }
0x1c: {  	p1 =	slt.u32 s9, $0xF7A;
	s5 =	simm.s32 @!p2 $0x0  }
0x1d: {  	s5 =	simm.s32 @p1 $0x1;
	p0 =	seq.s32 s7, s2  }
0x1e: {  	s7 =	smul.u32 @!p0 $0xF7A, s2;
	p2 =	seq.s32 @!p0 s5, $0x0  }
0x1f: {  	s9 =	smul.u32 $0xF7A, s1;
	s8 =	simm.s32 @!p0 $0x1BF5;
	p2 =	por !p2, p0  }
0x20: {  	[sflag:s8] =	ssyncset.s32 @!p0 $0xFFFFF086;
	s6 =	sadd.s32 @!p0 s3, s7;
	s7 =	simm.s32 @!p0 $0x108  }
0x21: {  	s3 =	sadd.s32 s3, s9;
	s6 =	sadd.s32 @!p0 $0x88, s6;
	s7 =	simm.s32 @p2 $0x1082  }
0x22: {  	[simem:s7], [sflag:s8] =	dma.local @!p0 [hbm:s6], $0xF7A  }
0x23: {  	s9 =	sor.u32 $0xD0000000, s2;
	s6 =	simm.s32 $0x108;
	_ =	swait.ge @!p0 [sflag:s8], $0x0  }
0x24: {  	s3 =	sadd.s32 $0x88, s3;
	s6 =	simm.s32 @!p1 $0x1082;
	[sflag:s4] =	ssyncset.s32 $0xFFFFF086  }
0x25: {  	[simem:s6], [sflag:s4] =	dma.local [hbm:s3], $0xF7A  }
0x26: {  	[smem:$0x3F93] =	sst s1;
	(tag) =	ssettag s2;
	_ =	strace s9  }
0x27: {  	s1 =	sld [smem:$0x3FA3]  }
0x28: {  	s2 =	sld [smem:$0x3FA4]  }
0x29: {  	s4 =	sld [smem:$0x3FA6]  }
0x2a: {  	p0 =	seq.s32 s5, $0x0;
	s5 =	sld [smem:$0x3FA7]  }
0x2b: {  	s6 =	sld [smem:$0x3FA8]  }
0x2c: {  	s7 =	sld [smem:$0x3FA9]  }
0x2d: {  	s3 =	simm.s32 $0x108;
	s8 =	sld [smem:$0x3FAA]  }
0x2e: {  	s3 =	simm.s32 @!p0 $0x1082;
	s9 =	sld [smem:$0x3FAB]  }
0x2f: {  	lr =	sadd.s32 s0, s3;
	s0 =	sld [smem:$0x3FA2]  }
0x30: {  	s3 =	sld [smem:$0x3FA5]  }
0x31: {  	[smem:$0x3FAE] =	sst s10  }
0x32: {  	s10 =	sld [smem:$0x3FAC];
	_ =	sdelay $0x3  }
0x33: {  	p0 =	seq.s32 s10, $0x1;
	s10 =	sld [smem:$0x3FAE];
	_ =	sdelay $0x3  }
0x34: {  	[smem:$0x3FAE] =	sst s10  }
0x35: {  	s10 =	sld [smem:$0x3FAD];
	_ =	sdelay $0x3  }
0x36: {  	p1 =	seq.s32 s10, $0x1;
	s10 =	sld [smem:$0x3FAE];
	_ =	sdelay $0x3  }
0x37: {  	[smem:$0x3FAE] =	sst s10  }
0x38: {  	s10 =	sld [smem:$0x3FAF]  }
0x39: {  	_ = 	snop;
	(pc) =	sbr.ind lr, $3  }
0x3a: {  	_ = 	snop  }
0x3b: {  	_ = 	snop  }
0x3c: {  	p2 =	seq.s32 s10, $0x1;
	s10 =	sld [smem:$0x3FAE]  }
0x3d: {  	_ =	shalt  }
0x3e: {  	_ =	shalt  }
0x3f: {  	_ =	shalt  }
0x40: {  	_ =	shalt  }
0x41: {  	_ =	shalt  }
0x42: {  	_ =	shalt  }
0x43: {  	_ =	shalt  }
0x44: {  	_ =	shalt  }
0x45: {  	_ =	shalt  }
0x46: {  	_ =	shalt  }
0x47: {  	_ =	shalt  }
0x48: {  	_ =	shalt  }
0x49: {  	_ =	shalt  }
0x4a: {  	_ =	shalt  }
0x4b: {  	_ =	shalt  }
0x4c: {  	_ =	shalt  }
0x4d: {  	_ =	shalt  }
0x4e: {  	_ =	shalt  }
0x4f: {  	_ =	shalt  }
0x50: {  	_ =	shalt  }
0x51: {  	_ =	shalt  }
0x52: {  	_ =	shalt  }
0x53: {  	_ =	shalt  }
0x54: {  	_ =	shalt  }
0x55: {  	_ =	shalt  }
0x56: {  	_ =	shalt  }
0x57: {  	_ =	shalt  }
0x58: {  	_ =	shalt  }
0x59: {  	_ =	shalt  }
0x5a: {  	_ =	shalt  }
0x5b: {  	_ =	shalt  }
0x5c: {  	_ =	shalt  }
0x5d: {  	_ =	shalt  }
0x5e: {  	_ =	shalt  }
0x5f: {  	_ =	shalt  }
0x60: {  	_ =	shalt  }
0x61: {  	_ =	shalt  }
0x62: {  	_ =	shalt  }
0x63: {  	_ =	shalt  }
0x64: {  	_ =	shalt  }
0x65: {  	_ =	shalt  }
0x66: {  	_ =	shalt  }
0x67: {  	_ =	shalt  }
0x68: {  	_ =	shalt  }
0x69: {  	_ =	shalt  }
0x6a: {  	_ =	shalt  }
0x6b: {  	_ =	shalt  }
0x6c: {  	_ =	shalt  }
0x6d: {  	_ =	shalt  }
0x6e: {  	_ =	shalt  }
0x6f: {  	_ =	shalt  }
0x70: {  	_ =	shalt  }
0x71: {  	_ =	shalt  }
0x72: {  	_ =	shalt  }
0x73: {  	_ =	shalt  }
0x74: {  	_ =	shalt  }
0x75: {  	_ =	shalt  }
0x76: {  	_ =	shalt  }
0x77: {  	_ =	shalt  }
0x78: {  	_ =	shalt  }
0x79: {  	_ =	shalt  }
0x7a: {  	_ =	shalt  }
0x7b: {  	_ =	shalt  }
0x7c: {  	_ =	shalt  }
0x7d: {  	_ =	shalt  }
0x7e: {  	_ =	shalt  }
0x7f: {  	_ =	shalt  }
0x80: {  	_ =	shalt  }
0x81: {  	_ =	shalt  }
0x82: {  	_ =	shalt  }
0x83: {  	_ =	shalt  }
0x84: {  	_ =	shalt  }
0x85: {  	_ =	shalt  }
0x86: {  	_ =	shalt  }
0x87: {  	_ =	shalt  }
.Lfunc_end0:
.L_simem_size_0:
called_computation.3_lowered:
.L_overlay_start_0:
0x88: {  	s2 =	sld [smem:$0x3FD9]  }
0x89: {  	s3 =	sld [smem:$0x3FFE];
	_ =	sdelay $0x1  }
0x8a: {  	s1 =	srdreg.scid  }
0x8b: {  	s0 =	sand.u32 $0x1, s1  }
0x8c: {  	s14 =	sshll.u32 s0, $0xA;
	s2 =	sadd.s32 s3, s2  }
0x8d: {  	s2 =	sadd.s32 s2, s14  }
0x8e: {  	[smem:$0x3FBA] =	sst s2  }
0x8f: {  	_ = 	snop  }
0x90: {  	s2 =	sld [smem:$0x3FD0];
	_ =	sdelay $0x2  }
0x91: {  	s15 =	simm.s32 $0xA;
	s4 =	simm.s32 $0x10  }
0x92: {  	[smem:s4], [sflag:s15] =	dma.local [hbm:s2], $0x1  }
0x93: {  	_ =	swait.eq [sflag:s15], $0x1  }
0x94: {  	[sflag:s15] =	ssyncset.done $0x0  }
0x95: {  	s16 =	sld [smem:$0x10];
	[sflag:s15] =	ssyncadd.s32 $0xFFFFFFFF  }
0x96: {  	s17 =	sld [smem:$0x11];
	(tm) =	ssettm $0x1  }
0x97: {  	s18 =	sld [smem:$0x3FFB];
	_ =	sdelay $0x3  }
0x98: {  	_ =	strace s18  }
0x99: {  	s4 =	sld [smem:$0x3FFC];
	_ =	sdelay $0x3  }
0x9a: {  	_ =	strace s4  }
0x9b: {  	s4 =	sld [smem:$0x3FFD];
	_ =	sdelay $0x3  }
0x9c: {  	_ =	strace s4  }
0x9d: {  	_ =	strace $0x8FFFFFFF  }
0x9e: {  	s19 =	sld [smem:$0x3FDB];
	_ =	sdelay $0x1  }
0x9f: {  	s5 =	simm.s32 $_scs_section_size  }
0xa0: {  	s6 =	simm.s32 $_size__tile_overlayer_lowered;
	s7 =	simm.s32 $_tile_overlayer_lowered  }
0xa1: {  	s22 =	simm.s32 $0x1BFF;
	s21 =	sshll.u32 s7, $0x1;
	s4 =	sadd.s32 s5, s19  }
0xa2: {  	s8 =	simm.s32 $0x0;
	s20 =	sshll.u32 s6, $0x1;
	s6 =	sadd.s32 s21, s4  }
0xa3: {  	[timem:s8], [sflag:s22] =	dma.local [hbm:s6], s20  }
0xa4: {  	_ =	swait.ge [sflag:s22], s20  }
0xa5: {  	s5 =	ssub.s32 $0x0, s20;
	[sflag:s22] =	ssyncset.done $0x0  }
0xa6: {  	[sflag:s22] =	ssyncadd.s32 s5;
	_ =	sdelay $0x1  }
0xa7: {  	s23 =	simm.s32 $0x1B8B  }
0xa8: {  	_ =	swait.ge [sflag:s23], $0x1  }
0xa9: {  	[sflag:s23] =	ssyncset.done $0x0  }
0xaa: {  	s25 =	simm.s32 $0x1B8E;
	s24 =	sld [smem:$0x3FFE];
	[sflag:s23] =	ssyncadd.s32 $0xFFFFFFFF  }
0xab: {  	s26 =	simm.s32 $execute0_lowered;
	[smem:$0x3FD2] =	sst s25  }
0xac: {  	s6 =	sshll.u32 s26, $0x1;
	_ =	strace $0x8000004F;
	[dreg:$0x1] =	wrdreg $0xFFFFFFFF  }
0xad: {  	s28 =	simm.s32 $_size_execute0_lowered;
	s4 =	sadd.s32 s4, s6;
	[dreg:$0x0] =	wrdreg $0x0  }
0xae: {  	s6 =	sshll.u32 s28, $0x1;
	[dreg:$0x2] =	wrdreg s4  }
0xaf: {  	[dreg:$0x3] =	wrdreg s6  }
0xb0: {  	[dreg:$0x4] =	wrdreg $0xC0  }
0xb1: {  	_ =	task [dreg:s8], $0x5FFFF  }
0xb2: {  	[dreg:$0x1] =	wrdreg $0xFFFFFFFF  }
0xb3: {  	[dreg:$0x0] =	wrdreg $0x60  }
0xb4: {  	[dreg:$0x2] =	wrdreg s24  }
0xb5: {  	[dreg:$0x3] =	wrdreg s17  }
0xb6: {  	[dreg:$0x4] =	wrdreg s16  }
0xb7: {  	[dreg:$0x5] =	wrdreg $0xA8000  }
0xb8: {  	[dreg:$0x6] =	wrdreg $0x9  }
0xb9: {  	_ =	task.clear_ibuf [dreg:s8], $0x7FFFF;
	_ =	strace $0x9000004F  }
0xba: {  	s29 =	simm.s32 $0x9;
	_ =	strace $0x80000051  }
0xbb: {  	_ =	swait.ge [sflag:s29], $0x1  }
0xbc: {  	[sflag:s29] =	ssyncadd.s32 $0xFFFFFFFF  }
0xbd: {  	_ =	strace $0x90000051  }
0xbe: {  	_ =	sfence  }
0xbf: {  	s30 =	sld [smem:$0x0];
	_ =	sdelay $0x2  }
0xc0: {  	s31 =	sshll.u32 s1, $0xD;
	s1 =	sshrl.u32 s1, $0x2  }
0xc1: {  	s3 =	sand.u32 $0x4000, s31;
	s1 =	sadd.s32 s1, s30  }
0xc2: {  	s0 =	sor.u32 s3, s0;
	s1 =	sshll.u32 s1, $0x11  }
0xc3: {  	s0 =	sor.u32 s1, s0  }
0xc4: {  	s0 =	sadd.s32 $0x8F2B, s0  }
0xc5: {  	[sflag:s0] =	ssyncadd.remote.s32 $0x1  }
0xc6: {  	_ =	sfence.sel $0xFFFF  }
0xc7: {  	[dreg:$0x0] =	wrdreg $0xFFFFFFFF;
	(pc) =	sbr.abs _section_cstart, $3  }
0xc8: {  	[dreg:$0x1] =	wrdreg $0xFFFFFFFF  }
0xc9: {  	_ =	task.clear_ibuf [dreg:s8], $0x2FFFF;
	_ =	strace $0x9FFFFFFF  }
0xca: {  	(tm) =	ssettm $0x7FFFFFFF  }
0xcb: {  	_ =	shalt  }
tec
execute0_lowered:
.L_overlay_start_1:
0x0: {  	(tag) =	ssettag $0x1  }
0x1: {  	s5 =	rddreg [dreg:$0x0]  }
0x2: {  	s8 =	rddreg [dreg:$0x1]  }
0x3: {  	s9 =	rddreg [dreg:$0x2]  }
0x4: {  	s1 =	rddreg [dreg:$0x3]  }
0x5: {  	s0 =	rddreg [dreg:$0x4];
	s2 =	simm.s32 $0x0  }
0x6: {  	s6 =	srdreg.scid;
	s3 =	stileid.u32;
	s17 =	simm.s32 $0x50  }
0x7: {  	s18 =	simm.s32 $0x8000;
	s19 =	simm.s32 $0x1;
	s20 =	simm.s32 $0x0  }
0x8: {  	[smem:$0x7FF] =	sst s2;
	s4 =	sadd.s32 $0x14000, s5;
	s11 =	smul.u32 $0x4E000, s3  }
0x9: {  	s6 =	sand.u32 $0x1, s6;
	s10 =	sshll.u32 s3, $0xB;
	s12 =	smul.u32 $0x2700, s3  }
0xa: {  	s29 =	smul.u32 $0x13800, s3;
	s15 =	sadd.s32 $0x124800, s1;
	p0 =	seq.s32 s3, $0xF  }
0xb: {  	_ =	strace $0x80000050;
	s7 =	sshll.u32 s6, $0xF;
	s25 =	ssub.s32 $0x2, s6  }
0xc: {  	s13 =	smul.u32 $0x138800, s6;
	s7 =	sor.u32 s10, s7;
	s26 =	sshrl.u32 s25, $0x1  }
0xd: {  	s28 =	sshrl.u32 s11, $0x2;
	s7 =	sadd.s32 s7, s5;
	s14 =	ssub.s32 s25, s26  }
0xe: {  	s16 =	sadd.s32 s28, s1;
	s30 =	sadd.s32 s29, s13;
	s31 =	sshrl.u32 s13, $0x3  }
0xf: {  	s13 =	simm.s32 $0x4000;
	s5 =	sadd.s32 $0x34000, s7;
	s6 =	sadd.s32 $0x4000, s7  }
0x10: {  	s7 =	sadd.s32 s8, s12;
	s10 =	sshrl.u32 s30, $0x3;
	s11 =	sadd.s32 s9, s31  }
0x11: {  	s8 =	sadd.s32 $0x24900, s8;
	s9 =	sadd.s32 s9, s10;
	s10 =	sadd.s32 $0x24900, s11  }
0x12: {  	s11 =	smax.u32 s14, $0x1;
	s14 =	sshrl.u32 @p0 s15, $0x3;
	s15 =	sshll.u32 @!p0 s3, $0x6  }
0x13: {  	s12 =	simm.s32 $0x2;
	s16 =	sshrl.u32 @!p0 s16, $0x3;
	s15 =	sor.u32 @!p0 $0x1C02, s15  }
.LBB2_1:
0x14: {  	[tilespmem:s2], [sflag:$0x2] =	stream.linear.gather [hbm4b:s5+s2], $0x3E80, $0x38;
	[tilespmem:$0x1E080] =	vst v63  }
0x15: {  	_ =	swait.ge [sflag:s12], $0x3E80  }
0x16: {  	[sflag:s12] =	ssyncset.done $0x0  }
0x17: {  	[sflag:s12] =	ssyncadd.s32 $0xFFFFC180  }
0x18: {  	[tilespmem:s13], [sflag:$0x2] =	stream.linear.gather [hbm4b:s6+s2], $0x3E80, $0x38;
	[tilespmem:$0x1E080] =	vst v63  }
0x19: {  	_ =	swait.ge [sflag:s12], $0x3E80  }
0x1a: {  	[sflag:s12] =	ssyncset.done $0x0  }
0x1b: {  	s21 =	simm.s32 @p0 $0x1FC2;
	[sflag:s12] =	ssyncadd.s32 $0xFFFFC180  }
0x1c: {  	[spmem:s14], [sflag:s21] =	dma.local @p0 [hbm:s8], $0x2800  }
0x1d: {  	s21 =	simm.s32 @p0 $0x2  }
0x1e: {  	_ =	swait.ge @p0 [sflag:s21], $0x2800  }
0x1f: {  	[sflag:s21] =	ssyncset.done @p0 $0x0  }
0x20: {  	[sflag:s21] =	ssyncadd.s32 @p0 $0xFFFFD800;
	s21 =	simm.s32 @!p0 $0x2  }
0x21: {  	[spmem:s16], [sflag:s15] =	dma.local @!p0 [hbm:s7], $0x2700  }
0x22: {  	_ =	swait.ge @!p0 [sflag:s21], $0x2700  }
0x23: {  	[sflag:s21] =	ssyncset.done @!p0 $0x0  }
0x24: {  	[sflag:s21] =	ssyncadd.s32 @!p0 $0xFFFFD900  }
0x25: {  	s30 =	simm.s32 $0x0;
	[bflag:$0x0] =	sbarrier.arrive $0xFFFF  }
0x26: {  	[tilespmem:s18], [sflag:$0x1] =	stream.indirect.gather [hbm4b:s4+s17], $0x80, s30, s17, $0xb8;
	[tilespmem:$0x1E080] =	vst v63  }
0x27: {  	_ =	swait.ge [sflag:s19], $0x2800  }
0x28: {  	[sflag:s19] =	ssyncset.done $0x0  }
0x29: {  	s31 =	simm.s32 $0x4000;
	[sflag:s19] =	ssyncadd.s32 $0xFFFFD800  }
0x2a: {  	[spmem:s1] =	stream.indirect.scatter.add.f32 [tilespmem:s18], [sflag:$0x2], $0x80, s31, s17, $0xb8;
	[tilespmem:$0x1E080] =	vst v63  }
0x2b: {  	_ =	swait.ge [sflag:s12], $0x2800  }
0x2c: {  	s22 =	simm.s32 $0x400;
	s21 =	simm.s32 $0x200;
	[sflag:s12] =	ssyncset.done $0x0  }
.LBB2_2:
0x2d: {  	s23 =	sshra.s32 s21, $0x2  }
0x2e: {  	[sflag:s12] =	ssyncadd.s32 $0xFFFFD800;
	s21 =	smov.u32 s22;
	s24 =	sadd.s32 $0x200, s22  }
0x2f: {  	[tilespmem:s18], [sflag:$0x1] =	stream.indirect.gather [hbm4b:s4+s17], $0x80, s23, s17, $0xb8;
	[tilespmem:$0x1E080] =	vst v63  }
0x30: {  	p1 =	sne.s32 s22, $0xF800;
	_ =	swait.ge [sflag:s19], $0x2800  }
.Ltmp0:
0x31: {  	[sflag:s19] =	ssyncset.done $0x0;
	(pc) =	sbr.rel @p1 .LBB2_2-.Ltmp0, $4  }
0x32: {  	s22 =	sadd.s32 $0x4000, s23;
	[sflag:s19] =	ssyncadd.s32 $0xFFFFD800  }
0x33: {  	[spmem:s1] =	stream.indirect.scatter.add.f32 [tilespmem:s18], [sflag:$0x2], $0x80, s22, s17, $0xb8;
	[tilespmem:$0x1E080] =	vst v63  }
0x34: {  	_ =	swait.ge [sflag:s12], $0x2800  }
0x35: {  	s22 =	smov.u32 s24;
	[sflag:s12] =	ssyncset.done $0x0  }
0x36: {  	s21 =	sshra.s32 s21, $0x2;
	[sflag:s12] =	ssyncadd.s32 $0xFFFFD800  }
0x37: {  	[tilespmem:s18], [sflag:$0x1] =	stream.indirect.gather [hbm4b:s4+s17], $0x80, s21, s17, $0xb8;
	[tilespmem:$0x1E080] =	vst v63  }
0x38: {  	_ =	swait.ge [sflag:s19], $0x2800  }
0x39: {  	[sflag:s19] =	ssyncset.done $0x0  }
0x3a: {  	s21 =	sadd.s32 $0x4000, s21;
	[sflag:s19] =	ssyncadd.s32 $0xFFFFD800  }
0x3b: {  	[spmem:s1] =	stream.indirect.scatter.add.f32 [tilespmem:s18], [sflag:$0x2], $0x80, s21, s17, $0xb8;
	[tilespmem:$0x1E080] =	vst v63  }
0x3c: {  	_ =	swait.ge [sflag:s12], $0x2800  }
0x3d: {  	[sflag:s12] =	ssyncset.done $0x0  }
0x3e: {  	[sflag:s12] =	ssyncadd.s32 $0xFFFFD800  }
0x3f: {  	s21 =	simm.s32 @p0 $0x1FC2;
	[bflag:$0x0] =	sbarrier.arrive $0xFFFF  }
0x40: {  	[hbm:s10], [sflag:s21] =	dma.local @p0 [spmem:s14], $0x2800  }
0x41: {  	s21 =	simm.s32 @p0 $0x2  }
0x42: {  	s20 =	sadd.s32 $0x1, s20;
	_ =	swait.ge @p0 [sflag:s21], $0x2800  }
0x43: {  	p1 =	sne.s32 s20, s11;
	[sflag:s21] =	ssyncset.done @p0 $0x0  }
.Ltmp1:
0x44: {  	[sflag:s21] =	ssyncadd.s32 @p0 $0xFFFFD800;
	s21 =	simm.s32 @!p0 $0x2;
	(pc) =	sbr.rel @p1 .LBB2_1-.Ltmp1, $4  }
0x45: {  	[hbm:s9], [sflag:s15] =	dma.local @!p0 [spmem:s16], $0x2700  }
0x46: {  	_ =	swait.ge @!p0 [sflag:s21], $0x2700  }
0x47: {  	[sflag:s21] =	ssyncset.done @!p0 $0x0  }
0x48: {  	[sflag:s21] =	ssyncadd.s32 @!p0 $0xFFFFD900  }
0x49: {  	_ =	sfence.sel $0x180000  }
0x4a: {  	[bflag:$0x0] =	sbarrier.arrive $0xFFFF  }
0x4b: {  	p0 =	sne.s32 s3, $0x0;
	_ =	strace $0x90000050  }
0x4c: {  	s0 =	sadd.s32 @!p0 $0x100000, s0;
	[bflag:$0x2] =	sbarrier.arrive $0xFFFF  }
0x4d: {  	[sflag:s0] =	ssyncadd.tile.s32 @!p0 $0x1;
	_ =	shalt  }
.Lfunc_end2:
_tile_overlayer_lowered:
.L_overlay_start_2:
0x4e: {  	(tag) =	ssettag $0x2  }
0x4f: {  	s0 =	rddreg [dreg:$0x0];
	s2 =	stileid.u32  }
0x50: {  	s1 =	rddreg [dreg:$0x1];
	p0 =	sne.s32 s2, $0x0  }
0x51: {  	s3 =	rddreg [dreg:$0x2];
	[bflag:$0x3] =	sbarrier.arrive $0xFFFF;
	s2 =	simm.s32 @!p0 $0x1C02  }
0x52: {  	[timem:s3], [sflag:s2] =	dma.local @!p0 [hbm:s0], s1  }
0x53: {  	s0 =	simm.s32 @!p0 $0x2  }
0x54: {  	_ =	swait.ge @!p0 [sflag:s0], s1  }
0x55: {  	s1 =	ssub.s32 @!p0 $0x0, s1;
	[sflag:s0] =	ssyncset.done @!p0 $0x0  }
0x56: {  	[sflag:s0] =	ssyncadd.s32 @!p0 s1  }
0x57: {  	[bflag:$0x3] =	sbarrier.arrive $0xFFFF  }
0x58: {  	_ =	shalt  }

</sc_bundles>
